<compile_context>
chip_gen: v7x
topology: tpu7x:2x2x1
jax: 0.10.2.dev20260603
libtpu: 0.0.44.dev20260713+nightly
codegen_flags: <defaults>
</compile_context>

<pallas_src>
import functools

import jax
import jax.numpy as jnp
from jax import lax
from jax.experimental import pallas as pl
from jax.experimental.pallas import tpu as pltpu
from jax.experimental.pallas import tpu_sc as plsc

BATCH = 16384
FEAT_DIM = 128
LANES = 16
GROUPS = FEAT_DIM // LANES

NUM_CORES = 2
NUM_SUBCORES = 16
NW = NUM_CORES * NUM_SUBCORES
ROWS_PER_W = BATCH // NW
CHUNK = 128
NCHUNK = ROWS_PER_W // CHUNK

FEAT_BUFS = 3

_mesh = plsc.VectorSubcoreMesh(core_axis_name="c", subcore_axis_name="s")


@functools.partial(
    pl.kernel,
    mesh=_mesh,
    compiler_params=pltpu.CompilerParams(use_tc_tiling_on_sc=True),
    out_type=jax.ShapeDtypeStruct((NW, LANES), jnp.float32),
    scratch_types=[
        pltpu.VMEM((NCHUNK, CHUNK), jnp.int32),
        pltpu.VMEM((NCHUNK, CHUNK, FEAT_DIM), jnp.float32),
        pltpu.VMEM((FEAT_BUFS, CHUNK, FEAT_DIM), jnp.float32),
        pltpu.VMEM((LANES,), jnp.float32),
        [pltpu.SemaphoreType.DMA] * NCHUNK,
        [pltpu.SemaphoreType.DMA] * FEAT_BUFS,
    ],
)
def _center_loss_partials(label_hbm, feat_hbm, centers_hbm, out_hbm,
                          idx_v, cent_v, feat_v, acc_v, sem_c, sem_f):
    wid = lax.axis_index("s") * NUM_CORES + lax.axis_index("c")
    base = wid * ROWS_PER_W

    def start_feat(k):
        pltpu.async_copy(feat_hbm.at[pl.ds(base + k * CHUNK, CHUNK)],
                         feat_v.at[k % FEAT_BUFS], sem_f[k % FEAT_BUFS])

    def wait_feat(k):
        pltpu.make_async_copy(feat_hbm.at[pl.ds(base + k * CHUNK, CHUNK)],
                              feat_v.at[k % FEAT_BUFS],
                              sem_f[k % FEAT_BUFS]).wait()

    pltpu.sync_copy(label_hbm.at[pl.ds(wid * NCHUNK, NCHUNK)], idx_v)
    for k in range(NCHUNK):
        pltpu.async_copy(centers_hbm.at[idx_v.at[k]], cent_v.at[k], sem_c[k])
        if k < FEAT_BUFS:
            start_feat(k)

    accs = tuple(jnp.zeros((LANES,), jnp.float32) for _ in range(GROUPS))
    for k in range(NCHUNK):
        pltpu.make_async_copy(centers_hbm.at[idx_v.at[k]], cent_v.at[k],
                              sem_c[k]).wait()
        wait_feat(k)

        def row_body(r, acc, _k=k):
            out = []
            for g in range(GROUPS):
                f = feat_v[_k % FEAT_BUFS, r, pl.ds(g * LANES, LANES)]
                c = cent_v[_k, r, pl.ds(g * LANES, LANES)]
                d = f - c
                out.append(acc[g] + d * d)
            return tuple(out)

        accs = plsc.parallel_loop(0, CHUNK, unroll=4, carry=accs)(row_body)
        if k + FEAT_BUFS < NCHUNK:
            start_feat(k + FEAT_BUFS)

    total = accs[0]
    for g in range(1, GROUPS):
        total = total + accs[g]
    acc_v[...] = total
    pltpu.sync_copy(acc_v, out_hbm.at[wid])


def kernel(label, feat, centers):
    label2d = label.astype(jnp.int32).reshape(NW * NCHUNK, CHUNK)
    partials = _center_loss_partials(label2d, feat, centers)
    return jnp.sum(partials) * (0.5 / BATCH)

# --- scband reference (transcript-rebuilt; emitter-appended) ---
"""Pipeline reference for scband-center-loss-73607149519639 (READ-ONLY COPY).

The authoritative reference and input builder live on the scoring server;
editing this copy changes nothing except your own understanding.
"""

import jax, jax.numpy as jnp
import numpy as np

NUM_CLASSES = 100000
FEAT_DIM = 128
BATCH = 16384

def setup_inputs(seed: int = 0) -> dict:
    key = jax.random.key(seed)
    k1, k2, k3 = jax.random.split(key, 3)
    label = jax.random.randint(k1, (BATCH,), 0, NUM_CLASSES, dtype=jnp.int64)
    feat = jax.random.normal(k2, (BATCH, FEAT_DIM), dtype=jnp.float32)
    centers = jax.random.normal(k3, (NUM_CLASSES, FEAT_DIM), dtype=jnp.float32)
    return {"label": label, "feat": feat, "centers": centers}

def reference(label, feat, centers):
    batch_size = feat.shape[0]
    feat = feat.reshape(batch_size, -1)
    # CenterlossFunc: gather centers by label, squared-error sum / 2 / batch_size
    centers_batch = jnp.take(centers, label, axis=0)
    diff = feat - centers_batch
    loss = jnp.sum(diff * diff) / 2.0 / batch_size
    return loss

if __name__ == "__main__":
    import jax
    _d = setup_inputs()
    print(jax.jit(kernel)(*tuple(_d.values())))

</pallas_src>

<mosaic_0001>
#map = affine_map<(d0, d1) -> (0, 0)>
module attributes {stable_mosaic.version = 14 : i64} {
  func.func @_center_loss_partials(%arg0: i32, %arg1: i32, %arg2: memref<128x128xi32, #tpu.memory_space<hbm>>, %arg3: memref<16384x128xf32, #tpu.memory_space<hbm>>, %arg4: memref<100000x128xf32, #tpu.memory_space<hbm>>, %arg5: memref<32x16xf32, #tpu.memory_space<hbm>>, %arg6: memref<4x128xi32, #tpu.memory_space<vmem>>, %arg7: memref<4x128x128xf32, #tpu.memory_space<vmem>>, %arg8: memref<3x128x128xf32, #tpu.memory_space<vmem>>, %arg9: memref<16xf32, #tpu.memory_space<vmem>>, %arg10: memref<!tpu.dma_semaphore, #tpu.memory_space<semaphore_mem>>, %arg11: memref<!tpu.dma_semaphore, #tpu.memory_space<semaphore_mem>>, %arg12: memref<!tpu.dma_semaphore, #tpu.memory_space<semaphore_mem>>, %arg13: memref<!tpu.dma_semaphore, #tpu.memory_space<semaphore_mem>>, %arg14: memref<!tpu.dma_semaphore, #tpu.memory_space<semaphore_mem>>, %arg15: memref<!tpu.dma_semaphore, #tpu.memory_space<semaphore_mem>>, %arg16: memref<!tpu.dma_semaphore, #tpu.memory_space<semaphore_mem>>) attributes {dimension_semantics = [#tpu.dimension_semantics<core_parallel>, #tpu.dimension_semantics<subcore_parallel>], iteration_bounds = array<i64: 2, 16>, scalar_prefetch = 0 : i64, scratch_operands = 11 : i64, tpu.core_type = #tpu.core_type<sc_vector_subcore>, window_params = [{transform_indices = #map}, {transform_indices = #map}, {transform_indices = #map}, {transform_indices = #map}]} {
    %mul3A = arith.constant 2 : i32
    %mul3A_0 = arith.muli %arg1, %mul3A : i32
    %add3A = arith.addi %mul3A_0, %arg0 : i32
    %mul3A_1 = arith.constant 512 : i32
    %mul3A_2 = arith.muli %add3A, %mul3A_1 : i32
    %mul3A_3 = arith.constant 4 : i32
    %mul3A_4 = arith.muli %add3A, %mul3A_3 : i32
    "tpu.region"() ({
      %run_scoped3A = tpu.sem_alloc : memref<!tpu.dma_semaphore, #tpu.memory_space<semaphore_mem>>
      %dma_start3A_259 = arith.constant 0 : i32
      %dma_start3A_260 = tpu.memref_slice %arg2[%mul3A_4, %dma_start3A_259] : memref<128x128xi32, #tpu.memory_space<hbm>> -> memref<4x128xi32, #tpu.memory_space<hbm>>
      %dma_start3A_261 = arith.constant 0 : i32
      %dma_start3A_262 = tpu.memref_slice %arg2[%mul3A_4, %dma_start3A_261] : memref<128x128xi32, #tpu.memory_space<hbm>> -> memref<4x128xi32, #tpu.memory_space<hbm>>
      tpu.enqueue_dma source(%dma_start3A_262 : memref<4x128xi32, #tpu.memory_space<hbm>>) target(%arg6 : memref<4x128xi32, #tpu.memory_space<vmem>>) target_semaphore(%run_scoped3A : memref<!tpu.dma_semaphore, #tpu.memory_space<semaphore_mem>>)
      %dma_wait3A_263 = arith.constant 0 : i32
      %dma_wait3A_264 = tpu.memref_slice %arg2[%mul3A_4, %dma_wait3A_263] : memref<128x128xi32, #tpu.memory_space<hbm>> -> memref<4x128xi32, #tpu.memory_space<hbm>>
      %dma_wait3A_265 = arith.constant 0 : i32
      %dma_wait3A_266 = tpu.memref_slice %arg2[%mul3A_4, %dma_wait3A_265] : memref<128x128xi32, #tpu.memory_space<hbm>> -> memref<4x128xi32, #tpu.memory_space<hbm>>
      tpu.wait_dma2 semaphore(%run_scoped3A : memref<!tpu.dma_semaphore, #tpu.memory_space<semaphore_mem>>) src(%dma_wait3A_266 : memref<4x128xi32, #tpu.memory_space<hbm>>) dst(%arg6 : memref<4x128xi32, #tpu.memory_space<vmem>>)
      tpu.yield
    }) : () -> ()
    %dma_start3A = arith.constant 0 : i32
    %dma_start3A_5 = arith.constant 0 : i32
    %dma_start3A_6 = arith.constant 0 : i32
    %dma_start3A_7 = arith.constant 0 : i32
    %dma_start3A_8 = tpu.memref_slice %arg7[%dma_start3A_5, %dma_start3A_6, %dma_start3A_7] : memref<4x128x128xf32, #tpu.memory_space<vmem>> -> memref<1x128x128xf32, #tpu.memory_space<vmem>>
    %dma_start3A_9 = tpu.memref_squeeze %dma_start3A_8 : memref<1x128x128xf32, #tpu.memory_space<vmem>> -> memref<128x128xf32, #tpu.memory_space<vmem>>
    %dma_start3A_10 = arith.constant 0 : i32
    %dma_start3A_11 = tpu.memref_slice %arg6[%dma_start3A, %dma_start3A_10] : memref<4x128xi32, #tpu.memory_space<vmem>> -> memref<1x128xi32, #tpu.memory_space<vmem>>
    %dma_start3A_12 = tpu.memref_squeeze %dma_start3A_11 : memref<1x128xi32, #tpu.memory_space<vmem>> -> memref<128xi32, #tpu.memory_space<vmem>>
    %dma_start3A_13 = arith.constant 0 : i32
    %dma_start3A_14 = arith.constant 0 : i32
    %dma_start3A_15 = tpu.memref_slice %arg4[%dma_start3A_13, %dma_start3A_14] : memref<100000x128xf32, #tpu.memory_space<hbm>> -> memref<100000x128xf32, #tpu.memory_space<hbm>>
    tpu.enqueue_indirect_dma source(%dma_start3A_15 : memref<100000x128xf32, #tpu.memory_space<hbm>>) target(%dma_start3A_9 : memref<128x128xf32, #tpu.memory_space<vmem>>) offsets(%dma_start3A_12 : memref<128xi32, #tpu.memory_space<vmem>>) semaphore(%arg10 : memref<!tpu.dma_semaphore, #tpu.memory_space<semaphore_mem>>)
    %add3A_16 = arith.constant 0 : i32
    %add3A_17 = arith.addi %mul3A_2, %add3A_16 : i32
    %dma_start3A_18 = arith.constant 0 : i32
    %dma_start3A_19 = arith.constant 0 : i32
    %dma_start3A_20 = arith.constant 0 : i32
    %dma_start3A_21 = tpu.memref_slice %arg8[%dma_start3A_18, %dma_start3A_19, %dma_start3A_20] : memref<3x128x128xf32, #tpu.memory_space<vmem>> -> memref<1x128x128xf32, #tpu.memory_space<vmem>>
    %dma_start3A_22 = tpu.memref_squeeze %dma_start3A_21 : memref<1x128x128xf32, #tpu.memory_space<vmem>> -> memref<128x128xf32, #tpu.memory_space<vmem>>
    %dma_start3A_23 = arith.constant 0 : i32
    %dma_start3A_24 = tpu.memref_slice %arg3[%add3A_17, %dma_start3A_23] : memref<16384x128xf32, #tpu.memory_space<hbm>> -> memref<128x128xf32, #tpu.memory_space<hbm>>
    %dma_start3A_25 = arith.constant 0 : i32
    %dma_start3A_26 = arith.constant 0 : i32
    %dma_start3A_27 = tpu.memref_slice %arg8[%dma_start3A_18, %dma_start3A_25, %dma_start3A_26] : memref<3x128x128xf32, #tpu.memory_space<vmem>> -> memref<1x128x128xf32, #tpu.memory_space<vmem>>
    %dma_start3A_28 = tpu.memref_squeeze %dma_start3A_27 : memref<1x128x128xf32, #tpu.memory_space<vmem>> -> memref<128x128xf32, #tpu.memory_space<vmem>>
    %dma_start3A_29 = arith.constant 0 : i32
    %dma_start3A_30 = tpu.memref_slice %arg3[%add3A_17, %dma_start3A_29] : memref<16384x128xf32, #tpu.memory_space<hbm>> -> memref<128x128xf32, #tpu.memory_space<hbm>>
    tpu.enqueue_dma source(%dma_start3A_30 : memref<128x128xf32, #tpu.memory_space<hbm>>) target(%dma_start3A_28 : memref<128x128xf32, #tpu.memory_space<vmem>>) target_semaphore(%arg14 : memref<!tpu.dma_semaphore, #tpu.memory_space<semaphore_mem>>)
    %dma_start3A_31 = arith.constant 1 : i32
    %dma_start3A_32 = arith.constant 1 : i32
    %dma_start3A_33 = arith.constant 0 : i32
    %dma_start3A_34 = arith.constant 0 : i32
    %dma_start3A_35 = tpu.memref_slice %arg7[%dma_start3A_32, %dma_start3A_33, %dma_start3A_34] : memref<4x128x128xf32, #tpu.memory_space<vmem>> -> memref<1x128x128xf32, #tpu.memory_space<vmem>>
    %dma_start3A_36 = tpu.memref_squeeze %dma_start3A_35 : memref<1x128x128xf32, #tpu.memory_space<vmem>> -> memref<128x128xf32, #tpu.memory_space<vmem>>
    %dma_start3A_37 = arith.constant 0 : i32
    %dma_start3A_38 = tpu.memref_slice %arg6[%dma_start3A_31, %dma_start3A_37] : memref<4x128xi32, #tpu.memory_space<vmem>> -> memref<1x128xi32, #tpu.memory_space<vmem>>
    %dma_start3A_39 = tpu.memref_squeeze %dma_start3A_38 : memref<1x128xi32, #tpu.memory_space<vmem>> -> memref<128xi32, #tpu.memory_space<vmem>>
    %dma_start3A_40 = arith.constant 0 : i32
    %dma_start3A_41 = arith.constant 0 : i32
    %dma_start3A_42 = tpu.memref_slice %arg4[%dma_start3A_40, %dma_start3A_41] : memref<100000x128xf32, #tpu.memory_space<hbm>> -> memref<100000x128xf32, #tpu.memory_space<hbm>>
    tpu.enqueue_indirect_dma source(%dma_start3A_42 : memref<100000x128xf32, #tpu.memory_space<hbm>>) target(%dma_start3A_36 : memref<128x128xf32, #tpu.memory_space<vmem>>) offsets(%dma_start3A_39 : memref<128xi32, #tpu.memory_space<vmem>>) semaphore(%arg11 : memref<!tpu.dma_semaphore, #tpu.memory_space<semaphore_mem>>)
    %add3A_43 = arith.constant 128 : i32
    %add3A_44 = arith.addi %mul3A_2, %add3A_43 : i32
    %dma_start3A_45 = arith.constant 1 : i32
    %dma_start3A_46 = arith.constant 0 : i32
    %dma_start3A_47 = arith.constant 0 : i32
    %dma_start3A_48 = tpu.memref_slice %arg8[%dma_start3A_45, %dma_start3A_46, %dma_start3A_47] : memref<3x128x128xf32, #tpu.memory_space<vmem>> -> memref<1x128x128xf32, #tpu.memory_space<vmem>>
    %dma_start3A_49 = tpu.memref_squeeze %dma_start3A_48 : memref<1x128x128xf32, #tpu.memory_space<vmem>> -> memref<128x128xf32, #tpu.memory_space<vmem>>
    %dma_start3A_50 = arith.constant 0 : i32
    %dma_start3A_51 = tpu.memref_slice %arg3[%add3A_44, %dma_start3A_50] : memref<16384x128xf32, #tpu.memory_space<hbm>> -> memref<128x128xf32, #tpu.memory_space<hbm>>
    %dma_start3A_52 = arith.constant 0 : i32
    %dma_start3A_53 = arith.constant 0 : i32
    %dma_start3A_54 = tpu.memref_slice %arg8[%dma_start3A_45, %dma_start3A_52, %dma_start3A_53] : memref<3x128x128xf32, #tpu.memory_space<vmem>> -> memref<1x128x128xf32, #tpu.memory_space<vmem>>
    %dma_start3A_55 = tpu.memref_squeeze %dma_start3A_54 : memref<1x128x128xf32, #tpu.memory_space<vmem>> -> memref<128x128xf32, #tpu.memory_space<vmem>>
    %dma_start3A_56 = arith.constant 0 : i32
    %dma_start3A_57 = tpu.memref_slice %arg3[%add3A_44, %dma_start3A_56] : memref<16384x128xf32, #tpu.memory_space<hbm>> -> memref<128x128xf32, #tpu.memory_space<hbm>>
    tpu.enqueue_dma source(%dma_start3A_57 : memref<128x128xf32, #tpu.memory_space<hbm>>) target(%dma_start3A_55 : memref<128x128xf32, #tpu.memory_space<vmem>>) target_semaphore(%arg15 : memref<!tpu.dma_semaphore, #tpu.memory_space<semaphore_mem>>)
    %dma_start3A_58 = arith.constant 2 : i32
    %dma_start3A_59 = arith.constant 2 : i32
    %dma_start3A_60 = arith.constant 0 : i32
    %dma_start3A_61 = arith.constant 0 : i32
    %dma_start3A_62 = tpu.memref_slice %arg7[%dma_start3A_59, %dma_start3A_60, %dma_start3A_61] : memref<4x128x128xf32, #tpu.memory_space<vmem>> -> memref<1x128x128xf32, #tpu.memory_space<vmem>>
    %dma_start3A_63 = tpu.memref_squeeze %dma_start3A_62 : memref<1x128x128xf32, #tpu.memory_space<vmem>> -> memref<128x128xf32, #tpu.memory_space<vmem>>
    %dma_start3A_64 = arith.constant 0 : i32
    %dma_start3A_65 = tpu.memref_slice %arg6[%dma_start3A_58, %dma_start3A_64] : memref<4x128xi32, #tpu.memory_space<vmem>> -> memref<1x128xi32, #tpu.memory_space<vmem>>
    %dma_start3A_66 = tpu.memref_squeeze %dma_start3A_65 : memref<1x128xi32, #tpu.memory_space<vmem>> -> memref<128xi32, #tpu.memory_space<vmem>>
    %dma_start3A_67 = arith.constant 0 : i32
    %dma_start3A_68 = arith.constant 0 : i32
    %dma_start3A_69 = tpu.memref_slice %arg4[%dma_start3A_67, %dma_start3A_68] : memref<100000x128xf32, #tpu.memory_space<hbm>> -> memref<100000x128xf32, #tpu.memory_space<hbm>>
    tpu.enqueue_indirect_dma source(%dma_start3A_69 : memref<100000x128xf32, #tpu.memory_space<hbm>>) target(%dma_start3A_63 : memref<128x128xf32, #tpu.memory_space<vmem>>) offsets(%dma_start3A_66 : memref<128xi32, #tpu.memory_space<vmem>>) semaphore(%arg12 : memref<!tpu.dma_semaphore, #tpu.memory_space<semaphore_mem>>)
    %add3A_70 = arith.constant 256 : i32
    %add3A_71 = arith.addi %mul3A_2, %add3A_70 : i32
    %dma_start3A_72 = arith.constant 2 : i32
    %dma_start3A_73 = arith.constant 0 : i32
    %dma_start3A_74 = arith.constant 0 : i32
    %dma_start3A_75 = tpu.memref_slice %arg8[%dma_start3A_72, %dma_start3A_73, %dma_start3A_74] : memref<3x128x128xf32, #tpu.memory_space<vmem>> -> memref<1x128x128xf32, #tpu.memory_space<vmem>>
    %dma_start3A_76 = tpu.memref_squeeze %dma_start3A_75 : memref<1x128x128xf32, #tpu.memory_space<vmem>> -> memref<128x128xf32, #tpu.memory_space<vmem>>
    %dma_start3A_77 = arith.constant 0 : i32
    %dma_start3A_78 = tpu.memref_slice %arg3[%add3A_71, %dma_start3A_77] : memref<16384x128xf32, #tpu.memory_space<hbm>> -> memref<128x128xf32, #tpu.memory_space<hbm>>
    %dma_start3A_79 = arith.constant 0 : i32
    %dma_start3A_80 = arith.constant 0 : i32
    %dma_start3A_81 = tpu.memref_slice %arg8[%dma_start3A_72, %dma_start3A_79, %dma_start3A_80] : memref<3x128x128xf32, #tpu.memory_space<vmem>> -> memref<1x128x128xf32, #tpu.memory_space<vmem>>
    %dma_start3A_82 = tpu.memref_squeeze %dma_start3A_81 : memref<1x128x128xf32, #tpu.memory_space<vmem>> -> memref<128x128xf32, #tpu.memory_space<vmem>>
    %dma_start3A_83 = arith.constant 0 : i32
    %dma_start3A_84 = tpu.memref_slice %arg3[%add3A_71, %dma_start3A_83] : memref<16384x128xf32, #tpu.memory_space<hbm>> -> memref<128x128xf32, #tpu.memory_space<hbm>>
    tpu.enqueue_dma source(%dma_start3A_84 : memref<128x128xf32, #tpu.memory_space<hbm>>) target(%dma_start3A_82 : memref<128x128xf32, #tpu.memory_space<vmem>>) target_semaphore(%arg16 : memref<!tpu.dma_semaphore, #tpu.memory_space<semaphore_mem>>)
    %dma_start3A_85 = arith.constant 3 : i32
    %dma_start3A_86 = arith.constant 3 : i32
    %dma_start3A_87 = arith.constant 0 : i32
    %dma_start3A_88 = arith.constant 0 : i32
    %dma_start3A_89 = tpu.memref_slice %arg7[%dma_start3A_86, %dma_start3A_87, %dma_start3A_88] : memref<4x128x128xf32, #tpu.memory_space<vmem>> -> memref<1x128x128xf32, #tpu.memory_space<vmem>>
    %dma_start3A_90 = tpu.memref_squeeze %dma_start3A_89 : memref<1x128x128xf32, #tpu.memory_space<vmem>> -> memref<128x128xf32, #tpu.memory_space<vmem>>
    %dma_start3A_91 = arith.constant 0 : i32
    %dma_start3A_92 = tpu.memref_slice %arg6[%dma_start3A_85, %dma_start3A_91] : memref<4x128xi32, #tpu.memory_space<vmem>> -> memref<1x128xi32, #tpu.memory_space<vmem>>
    %dma_start3A_93 = tpu.memref_squeeze %dma_start3A_92 : memref<1x128xi32, #tpu.memory_space<vmem>> -> memref<128xi32, #tpu.memory_space<vmem>>
    %dma_start3A_94 = arith.constant 0 : i32
    %dma_start3A_95 = arith.constant 0 : i32
    %dma_start3A_96 = tpu.memref_slice %arg4[%dma_start3A_94, %dma_start3A_95] : memref<100000x128xf32, #tpu.memory_space<hbm>> -> memref<100000x128xf32, #tpu.memory_space<hbm>>
    tpu.enqueue_indirect_dma source(%dma_start3A_96 : memref<100000x128xf32, #tpu.memory_space<hbm>>) target(%dma_start3A_90 : memref<128x128xf32, #tpu.memory_space<vmem>>) offsets(%dma_start3A_93 : memref<128xi32, #tpu.memory_space<vmem>>) semaphore(%arg13 : memref<!tpu.dma_semaphore, #tpu.memory_space<semaphore_mem>>)
    %broadcast_in_dim3A = arith.constant 0.000000e+00 : f32
    %broadcast_in_dim3A_97 = vector.broadcast %broadcast_in_dim3A : f32 to vector<16xf32>
    %broadcast_in_dim3A_98 = arith.constant 0.000000e+00 : f32
    %broadcast_in_dim3A_99 = vector.broadcast %broadcast_in_dim3A_98 : f32 to vector<16xf32>
    %broadcast_in_dim3A_100 = arith.constant 0.000000e+00 : f32
    %broadcast_in_dim3A_101 = vector.broadcast %broadcast_in_dim3A_100 : f32 to vector<16xf32>
    %broadcast_in_dim3A_102 = arith.constant 0.000000e+00 : f32
    %broadcast_in_dim3A_103 = vector.broadcast %broadcast_in_dim3A_102 : f32 to vector<16xf32>
    %broadcast_in_dim3A_104 = arith.constant 0.000000e+00 : f32
    %broadcast_in_dim3A_105 = vector.broadcast %broadcast_in_dim3A_104 : f32 to vector<16xf32>
    %broadcast_in_dim3A_106 = arith.constant 0.000000e+00 : f32
    %broadcast_in_dim3A_107 = vector.broadcast %broadcast_in_dim3A_106 : f32 to vector<16xf32>
    %broadcast_in_dim3A_108 = arith.constant 0.000000e+00 : f32
    %broadcast_in_dim3A_109 = vector.broadcast %broadcast_in_dim3A_108 : f32 to vector<16xf32>
    %broadcast_in_dim3A_110 = arith.constant 0.000000e+00 : f32
    %broadcast_in_dim3A_111 = vector.broadcast %broadcast_in_dim3A_110 : f32 to vector<16xf32>
    %dma_wait3A = arith.constant 0 : i32
    %dma_wait3A_112 = arith.constant 0 : i32
    %dma_wait3A_113 = arith.constant 0 : i32
    %dma_wait3A_114 = arith.constant 0 : i32
    %dma_wait3A_115 = tpu.memref_slice %arg7[%dma_wait3A_112, %dma_wait3A_113, %dma_wait3A_114] : memref<4x128x128xf32, #tpu.memory_space<vmem>> -> memref<1x128x128xf32, #tpu.memory_space<vmem>>
    %dma_wait3A_116 = tpu.memref_squeeze %dma_wait3A_115 : memref<1x128x128xf32, #tpu.memory_space<vmem>> -> memref<128x128xf32, #tpu.memory_space<vmem>>
    %dma_wait3A_117 = arith.constant 0 : i32
    %dma_wait3A_118 = tpu.memref_slice %arg6[%dma_wait3A, %dma_wait3A_117] : memref<4x128xi32, #tpu.memory_space<vmem>> -> memref<1x128xi32, #tpu.memory_space<vmem>>
    %dma_wait3A_119 = tpu.memref_squeeze %dma_wait3A_118 : memref<1x128xi32, #tpu.memory_space<vmem>> -> memref<128xi32, #tpu.memory_space<vmem>>
    %dma_wait3A_120 = arith.constant 0 : i32
    %dma_wait3A_121 = arith.constant 0 : i32
    %dma_wait3A_122 = tpu.memref_slice %arg4[%dma_wait3A_120, %dma_wait3A_121] : memref<100000x128xf32, #tpu.memory_space<hbm>> -> memref<100000x128xf32, #tpu.memory_space<hbm>>
    tpu.wait_indirect_dma semaphore(%arg10 : memref<!tpu.dma_semaphore, #tpu.memory_space<semaphore_mem>>) src(%dma_wait3A_122 : memref<100000x128xf32, #tpu.memory_space<hbm>>) dst(%dma_wait3A_116 : memref<128x128xf32, #tpu.memory_space<vmem>>)
    %add3A_123 = arith.constant 0 : i32
    %add3A_124 = arith.addi %mul3A_2, %add3A_123 : i32
    %dma_wait3A_125 = arith.constant 0 : i32
    %dma_wait3A_126 = arith.constant 0 : i32
    %dma_wait3A_127 = arith.constant 0 : i32
    %dma_wait3A_128 = tpu.memref_slice %arg8[%dma_wait3A_125, %dma_wait3A_126, %dma_wait3A_127] : memref<3x128x128xf32, #tpu.memory_space<vmem>> -> memref<1x128x128xf32, #tpu.memory_space<vmem>>
    %dma_wait3A_129 = tpu.memref_squeeze %dma_wait3A_128 : memref<1x128x128xf32, #tpu.memory_space<vmem>> -> memref<128x128xf32, #tpu.memory_space<vmem>>
    %dma_wait3A_130 = arith.constant 0 : i32
    %dma_wait3A_131 = tpu.memref_slice %arg3[%add3A_124, %dma_wait3A_130] : memref<16384x128xf32, #tpu.memory_space<hbm>> -> memref<128x128xf32, #tpu.memory_space<hbm>>
    %dma_wait3A_132 = arith.constant 0 : i32
    %dma_wait3A_133 = arith.constant 0 : i32
    %dma_wait3A_134 = tpu.memref_slice %arg8[%dma_wait3A_125, %dma_wait3A_132, %dma_wait3A_133] : memref<3x128x128xf32, #tpu.memory_space<vmem>> -> memref<1x128x128xf32, #tpu.memory_space<vmem>>
    %dma_wait3A_135 = tpu.memref_squeeze %dma_wait3A_134 : memref<1x128x128xf32, #tpu.memory_space<vmem>> -> memref<128x128xf32, #tpu.memory_space<vmem>>
    %dma_wait3A_136 = arith.constant 0 : i32
    %dma_wait3A_137 = tpu.memref_slice %arg3[%add3A_124, %dma_wait3A_136] : memref<16384x128xf32, #tpu.memory_space<hbm>> -> memref<128x128xf32, #tpu.memory_space<hbm>>
    tpu.wait_dma2 semaphore(%arg14 : memref<!tpu.dma_semaphore, #tpu.memory_space<semaphore_mem>>) src(%dma_wait3A_137 : memref<128x128xf32, #tpu.memory_space<hbm>>) dst(%dma_wait3A_135 : memref<128x128xf32, #tpu.memory_space<vmem>>)
    %parallel_loop3A = arith.constant 0 : i32
    %parallel_loop3A_138 = arith.constant 128 : i32
    %parallel_loop3A_139 = arith.constant 1 : i32
    %parallel_loop3A_140:8 = scf.for %parallel_loop3A_259 = %parallel_loop3A to %parallel_loop3A_138 step %parallel_loop3A_139 iter_args(%parallel_loop3A_260 = %broadcast_in_dim3A_97, %parallel_loop3A_261 = %broadcast_in_dim3A_99, %parallel_loop3A_262 = %broadcast_in_dim3A_101, %parallel_loop3A_263 = %broadcast_in_dim3A_103, %parallel_loop3A_264 = %broadcast_in_dim3A_105, %parallel_loop3A_265 = %broadcast_in_dim3A_107, %parallel_loop3A_266 = %broadcast_in_dim3A_109, %parallel_loop3A_267 = %broadcast_in_dim3A_111) -> (vector<16xf32>, vector<16xf32>, vector<16xf32>, vector<16xf32>, vector<16xf32>, vector<16xf32>, vector<16xf32>, vector<16xf32>)  : i32 {
      %parallel_loop3A_268 = arith.constant 0 : i32
      %parallel_loop3A_269 = arith.index_cast %parallel_loop3A_268 : i32 to index
      %parallel_loop3A_270 = arith.index_cast %parallel_loop3A_259 : i32 to index
      %parallel_loop3A_271 = arith.constant 0 : index
      %parallel_loop3A_272 = tpu.vector_load %arg8[%parallel_loop3A_269, %parallel_loop3A_270, %parallel_loop3A_271] {strides = array<i32>} : memref<3x128x128xf32, #tpu.memory_space<vmem>>, vector<1x1x16xf32>,
      %parallel_loop3A_273 = vector.shape_cast %parallel_loop3A_272 : vector<1x1x16xf32> to vector<16xf32>
      %parallel_loop3A_274 = arith.constant 0 : i32
      %parallel_loop3A_275 = arith.index_cast %parallel_loop3A_274 : i32 to index
      %parallel_loop3A_276 = arith.index_cast %parallel_loop3A_259 : i32 to index
      %parallel_loop3A_277 = arith.constant 0 : index
      %parallel_loop3A_278 = tpu.vector_load %arg7[%parallel_loop3A_275, %parallel_loop3A_276, %parallel_loop3A_277] {strides = array<i32>} : memref<4x128x128xf32, #tpu.memory_space<vmem>>, vector<1x1x16xf32>,
      %parallel_loop3A_279 = vector.shape_cast %parallel_loop3A_278 : vector<1x1x16xf32> to vector<16xf32>
      %parallel_loop3A_280 = arith.subf %parallel_loop3A_273, %parallel_loop3A_279 : vector<16xf32>
      %parallel_loop3A_281 = arith.mulf %parallel_loop3A_280, %parallel_loop3A_280 : vector<16xf32>
      %parallel_loop3A_282 = arith.addf %parallel_loop3A_260, %parallel_loop3A_281 : vector<16xf32>
      %parallel_loop3A_283 = arith.constant 0 : i32
      %parallel_loop3A_284 = arith.index_cast %parallel_loop3A_283 : i32 to index
      %parallel_loop3A_285 = arith.index_cast %parallel_loop3A_259 : i32 to index
      %parallel_loop3A_286 = arith.constant 16 : index
      %parallel_loop3A_287 = tpu.vector_load %arg8[%parallel_loop3A_284, %parallel_loop3A_285, %parallel_loop3A_286] {strides = array<i32>} : memref<3x128x128xf32, #tpu.memory_space<vmem>>, vector<1x1x16xf32>,
      %parallel_loop3A_288 = vector.shape_cast %parallel_loop3A_287 : vector<1x1x16xf32> to vector<16xf32>
      %parallel_loop3A_289 = arith.constant 0 : i32
      %parallel_loop3A_290 = arith.index_cast %parallel_loop3A_289 : i32 to index
      %parallel_loop3A_291 = arith.index_cast %parallel_loop3A_259 : i32 to index
      %parallel_loop3A_292 = arith.constant 16 : index
      %parallel_loop3A_293 = tpu.vector_load %arg7[%parallel_loop3A_290, %parallel_loop3A_291, %parallel_loop3A_292] {strides = array<i32>} : memref<4x128x128xf32, #tpu.memory_space<vmem>>, vector<1x1x16xf32>,
      %parallel_loop3A_294 = vector.shape_cast %parallel_loop3A_293 : vector<1x1x16xf32> to vector<16xf32>
      %parallel_loop3A_295 = arith.subf %parallel_loop3A_288, %parallel_loop3A_294 : vector<16xf32>
      %parallel_loop3A_296 = arith.mulf %parallel_loop3A_295, %parallel_loop3A_295 : vector<16xf32>
      %parallel_loop3A_297 = arith.addf %parallel_loop3A_261, %parallel_loop3A_296 : vector<16xf32>
      %parallel_loop3A_298 = arith.constant 0 : i32
      %parallel_loop3A_299 = arith.index_cast %parallel_loop3A_298 : i32 to index
      %parallel_loop3A_300 = arith.index_cast %parallel_loop3A_259 : i32 to index
      %parallel_loop3A_301 = arith.constant 32 : index
      %parallel_loop3A_302 = tpu.vector_load %arg8[%parallel_loop3A_299, %parallel_loop3A_300, %parallel_loop3A_301] {strides = array<i32>} : memref<3x128x128xf32, #tpu.memory_space<vmem>>, vector<1x1x16xf32>,
      %parallel_loop3A_303 = vector.shape_cast %parallel_loop3A_302 : vector<1x1x16xf32> to vector<16xf32>
      %parallel_loop3A_304 = arith.constant 0 : i32
      %parallel_loop3A_305 = arith.index_cast %parallel_loop3A_304 : i32 to index
      %parallel_loop3A_306 = arith.index_cast %parallel_loop3A_259 : i32 to index
      %parallel_loop3A_307 = arith.constant 32 : index
      %parallel_loop3A_308 = tpu.vector_load %arg7[%parallel_loop3A_305, %parallel_loop3A_306, %parallel_loop3A_307] {strides = array<i32>} : memref<4x128x128xf32, #tpu.memory_space<vmem>>, vector<1x1x16xf32>,
      %parallel_loop3A_309 = vector.shape_cast %parallel_loop3A_308 : vector<1x1x16xf32> to vector<16xf32>
      %parallel_loop3A_310 = arith.subf %parallel_loop3A_303, %parallel_loop3A_309 : vector<16xf32>
      %parallel_loop3A_311 = arith.mulf %parallel_loop3A_310, %parallel_loop3A_310 : vector<16xf32>
      %parallel_loop3A_312 = arith.addf %parallel_loop3A_262, %parallel_loop3A_311 : vector<16xf32>
      %parallel_loop3A_313 = arith.constant 0 : i32
      %parallel_loop3A_314 = arith.index_cast %parallel_loop3A_313 : i32 to index
      %parallel_loop3A_315 = arith.index_cast %parallel_loop3A_259 : i32 to index
      %parallel_loop3A_316 = arith.constant 48 : index
      %parallel_loop3A_317 = tpu.vector_load %arg8[%parallel_loop3A_314, %parallel_loop3A_315, %parallel_loop3A_316] {strides = array<i32>} : memref<3x128x128xf32, #tpu.memory_space<vmem>>, vector<1x1x16xf32>,
      %parallel_loop3A_318 = vector.shape_cast %parallel_loop3A_317 : vector<1x1x16xf32> to vector<16xf32>
      %parallel_loop3A_319 = arith.constant 0 : i32
      %parallel_loop3A_320 = arith.index_cast %parallel_loop3A_319 : i32 to index
      %parallel_loop3A_321 = arith.index_cast %parallel_loop3A_259 : i32 to index
      %parallel_loop3A_322 = arith.constant 48 : index
      %parallel_loop3A_323 = tpu.vector_load %arg7[%parallel_loop3A_320, %parallel_loop3A_321, %parallel_loop3A_322] {strides = array<i32>} : memref<4x128x128xf32, #tpu.memory_space<vmem>>, vector<1x1x16xf32>,
      %parallel_loop3A_324 = vector.shape_cast %parallel_loop3A_323 : vector<1x1x16xf32> to vector<16xf32>
      %parallel_loop3A_325 = arith.subf %parallel_loop3A_318, %parallel_loop3A_324 : vector<16xf32>
      %parallel_loop3A_326 = arith.mulf %parallel_loop3A_325, %parallel_loop3A_325 : vector<16xf32>
      %parallel_loop3A_327 = arith.addf %parallel_loop3A_263, %parallel_loop3A_326 : vector<16xf32>
      %parallel_loop3A_328 = arith.constant 0 : i32
      %parallel_loop3A_329 = arith.index_cast %parallel_loop3A_328 : i32 to index
      %parallel_loop3A_330 = arith.index_cast %parallel_loop3A_259 : i32 to index
      %parallel_loop3A_331 = arith.constant 64 : index
      %parallel_loop3A_332 = tpu.vector_load %arg8[%parallel_loop3A_329, %parallel_loop3A_330, %parallel_loop3A_331] {strides = array<i32>} : memref<3x128x128xf32, #tpu.memory_space<vmem>>, vector<1x1x16xf32>,
      %parallel_loop3A_333 = vector.shape_cast %parallel_loop3A_332 : vector<1x1x16xf32> to vector<16xf32>
      %parallel_loop3A_334 = arith.constant 0 : i32
      %parallel_loop3A_335 = arith.index_cast %parallel_loop3A_334 : i32 to index
      %parallel_loop3A_336 = arith.index_cast %parallel_loop3A_259 : i32 to index
      %parallel_loop3A_337 = arith.constant 64 : index
      %parallel_loop3A_338 = tpu.vector_load %arg7[%parallel_loop3A_335, %parallel_loop3A_336, %parallel_loop3A_337] {strides = array<i32>} : memref<4x128x128xf32, #tpu.memory_space<vmem>>, vector<1x1x16xf32>,
      %parallel_loop3A_339 = vector.shape_cast %parallel_loop3A_338 : vector<1x1x16xf32> to vector<16xf32>
      %parallel_loop3A_340 = arith.subf %parallel_loop3A_333, %parallel_loop3A_339 : vector<16xf32>
      %parallel_loop3A_341 = arith.mulf %parallel_loop3A_340, %parallel_loop3A_340 : vector<16xf32>
      %parallel_loop3A_342 = arith.addf %parallel_loop3A_264, %parallel_loop3A_341 : vector<16xf32>
      %parallel_loop3A_343 = arith.constant 0 : i32
      %parallel_loop3A_344 = arith.index_cast %parallel_loop3A_343 : i32 to index
      %parallel_loop3A_345 = arith.index_cast %parallel_loop3A_259 : i32 to index
      %parallel_loop3A_346 = arith.constant 80 : index
      %parallel_loop3A_347 = tpu.vector_load %arg8[%parallel_loop3A_344, %parallel_loop3A_345, %parallel_loop3A_346] {strides = array<i32>} : memref<3x128x128xf32, #tpu.memory_space<vmem>>, vector<1x1x16xf32>,
      %parallel_loop3A_348 = vector.shape_cast %parallel_loop3A_347 : vector<1x1x16xf32> to vector<16xf32>
      %parallel_loop3A_349 = arith.constant 0 : i32
      %parallel_loop3A_350 = arith.index_cast %parallel_loop3A_349 : i32 to index
      %parallel_loop3A_351 = arith.index_cast %parallel_loop3A_259 : i32 to index
      %parallel_loop3A_352 = arith.constant 80 : index
      %parallel_loop3A_353 = tpu.vector_load %arg7[%parallel_loop3A_350, %parallel_loop3A_351, %parallel_loop3A_352] {strides = array<i32>} : memref<4x128x128xf32, #tpu.memory_space<vmem>>, vector<1x1x16xf32>,
      %parallel_loop3A_354 = vector.shape_cast %parallel_loop3A_353 : vector<1x1x16xf32> to vector<16xf32>
      %parallel_loop3A_355 = arith.subf %parallel_loop3A_348, %parallel_loop3A_354 : vector<16xf32>
      %parallel_loop3A_356 = arith.mulf %parallel_loop3A_355, %parallel_loop3A_355 : vector<16xf32>
      %parallel_loop3A_357 = arith.addf %parallel_loop3A_265, %parallel_loop3A_356 : vector<16xf32>
      %parallel_loop3A_358 = arith.constant 0 : i32
      %parallel_loop3A_359 = arith.index_cast %parallel_loop3A_358 : i32 to index
      %parallel_loop3A_360 = arith.index_cast %parallel_loop3A_259 : i32 to index
      %parallel_loop3A_361 = arith.constant 96 : index
      %parallel_loop3A_362 = tpu.vector_load %arg8[%parallel_loop3A_359, %parallel_loop3A_360, %parallel_loop3A_361] {strides = array<i32>} : memref<3x128x128xf32, #tpu.memory_space<vmem>>, vector<1x1x16xf32>,
      %parallel_loop3A_363 = vector.shape_cast %parallel_loop3A_362 : vector<1x1x16xf32> to vector<16xf32>
      %parallel_loop3A_364 = arith.constant 0 : i32
      %parallel_loop3A_365 = arith.index_cast %parallel_loop3A_364 : i32 to index
      %parallel_loop3A_366 = arith.index_cast %parallel_loop3A_259 : i32 to index
      %parallel_loop3A_367 = arith.constant 96 : index
      %parallel_loop3A_368 = tpu.vector_load %arg7[%parallel_loop3A_365, %parallel_loop3A_366, %parallel_loop3A_367] {strides = array<i32>} : memref<4x128x128xf32, #tpu.memory_space<vmem>>, vector<1x1x16xf32>,
      %parallel_loop3A_369 = vector.shape_cast %parallel_loop3A_368 : vector<1x1x16xf32> to vector<16xf32>
      %parallel_loop3A_370 = arith.subf %parallel_loop3A_363, %parallel_loop3A_369 : vector<16xf32>
      %parallel_loop3A_371 = arith.mulf %parallel_loop3A_370, %parallel_loop3A_370 : vector<16xf32>
      %parallel_loop3A_372 = arith.addf %parallel_loop3A_266, %parallel_loop3A_371 : vector<16xf32>
      %parallel_loop3A_373 = arith.constant 0 : i32
      %parallel_loop3A_374 = arith.index_cast %parallel_loop3A_373 : i32 to index
      %parallel_loop3A_375 = arith.index_cast %parallel_loop3A_259 : i32 to index
      %parallel_loop3A_376 = arith.constant 112 : index
      %parallel_loop3A_377 = tpu.vector_load %arg8[%parallel_loop3A_374, %parallel_loop3A_375, %parallel_loop3A_376] {strides = array<i32>} : memref<3x128x128xf32, #tpu.memory_space<vmem>>, vector<1x1x16xf32>,
      %parallel_loop3A_378 = vector.shape_cast %parallel_loop3A_377 : vector<1x1x16xf32> to vector<16xf32>
      %parallel_loop3A_379 = arith.constant 0 : i32
      %parallel_loop3A_380 = arith.index_cast %parallel_loop3A_379 : i32 to index
      %parallel_loop3A_381 = arith.index_cast %parallel_loop3A_259 : i32 to index
      %parallel_loop3A_382 = arith.constant 112 : index
      %parallel_loop3A_383 = tpu.vector_load %arg7[%parallel_loop3A_380, %parallel_loop3A_381, %parallel_loop3A_382] {strides = array<i32>} : memref<4x128x128xf32, #tpu.memory_space<vmem>>, vector<1x1x16xf32>,
      %parallel_loop3A_384 = vector.shape_cast %parallel_loop3A_383 : vector<1x1x16xf32> to vector<16xf32>
      %parallel_loop3A_385 = arith.subf %parallel_loop3A_378, %parallel_loop3A_384 : vector<16xf32>
      %parallel_loop3A_386 = arith.mulf %parallel_loop3A_385, %parallel_loop3A_385 : vector<16xf32>
      %parallel_loop3A_387 = arith.addf %parallel_loop3A_267, %parallel_loop3A_386 : vector<16xf32>
      scf.yield %parallel_loop3A_282, %parallel_loop3A_297, %parallel_loop3A_312, %parallel_loop3A_327, %parallel_loop3A_342, %parallel_loop3A_357, %parallel_loop3A_372, %parallel_loop3A_387 : vector<16xf32>, vector<16xf32>, vector<16xf32>, vector<16xf32>, vector<16xf32>, vector<16xf32>, vector<16xf32>, vector<16xf32>
    } {sc.loop_unroll_factor = 4 : i64, sc.parallel_access}
    %add3A_141 = arith.constant 384 : i32
    %add3A_142 = arith.addi %mul3A_2, %add3A_141 : i32
    %dma_start3A_143 = arith.constant 0 : i32
    %dma_start3A_144 = arith.constant 0 : i32
    %dma_start3A_145 = arith.constant 0 : i32
    %dma_start3A_146 = tpu.memref_slice %arg8[%dma_start3A_143, %dma_start3A_144, %dma_start3A_145] : memref<3x128x128xf32, #tpu.memory_space<vmem>> -> memref<1x128x128xf32, #tpu.memory_space<vmem>>
    %dma_start3A_147 = tpu.memref_squeeze %dma_start3A_146 : memref<1x128x128xf32, #tpu.memory_space<vmem>> -> memref<128x128xf32, #tpu.memory_space<vmem>>
    %dma_start3A_148 = arith.constant 0 : i32
    %dma_start3A_149 = tpu.memref_slice %arg3[%add3A_142, %dma_start3A_148] : memref<16384x128xf32, #tpu.memory_space<hbm>> -> memref<128x128xf32, #tpu.memory_space<hbm>>
    %dma_start3A_150 = arith.constant 0 : i32
    %dma_start3A_151 = arith.constant 0 : i32
    %dma_start3A_152 = tpu.memref_slice %arg8[%dma_start3A_143, %dma_start3A_150, %dma_start3A_151] : memref<3x128x128xf32, #tpu.memory_space<vmem>> -> memref<1x128x128xf32, #tpu.memory_space<vmem>>
    %dma_start3A_153 = tpu.memref_squeeze %dma_start3A_152 : memref<1x128x128xf32, #tpu.memory_space<vmem>> -> memref<128x128xf32, #tpu.memory_space<vmem>>
    %dma_start3A_154 = arith.constant 0 : i32
    %dma_start3A_155 = tpu.memref_slice %arg3[%add3A_142, %dma_start3A_154] : memref<16384x128xf32, #tpu.memory_space<hbm>> -> memref<128x128xf32, #tpu.memory_space<hbm>>
    tpu.enqueue_dma source(%dma_start3A_155 : memref<128x128xf32, #tpu.memory_space<hbm>>) target(%dma_start3A_153 : memref<128x128xf32, #tpu.memory_space<vmem>>) target_semaphore(%arg14 : memref<!tpu.dma_semaphore, #tpu.memory_space<semaphore_mem>>)
    %dma_wait3A_156 = arith.constant 1 : i32
    %dma_wait3A_157 = arith.constant 1 : i32
    %dma_wait3A_158 = arith.constant 0 : i32
    %dma_wait3A_159 = arith.constant 0 : i32
    %dma_wait3A_160 = tpu.memref_slice %arg7[%dma_wait3A_157, %dma_wait3A_158, %dma_wait3A_159] : memref<4x128x128xf32, #tpu.memory_space<vmem>> -> memref<1x128x128xf32, #tpu.memory_space<vmem>>
    %dma_wait3A_161 = tpu.memref_squeeze %dma_wait3A_160 : memref<1x128x128xf32, #tpu.memory_space<vmem>> -> memref<128x128xf32, #tpu.memory_space<vmem>>
    %dma_wait3A_162 = arith.constant 0 : i32
    %dma_wait3A_163 = tpu.memref_slice %arg6[%dma_wait3A_156, %dma_wait3A_162] : memref<4x128xi32, #tpu.memory_space<vmem>> -> memref<1x128xi32, #tpu.memory_space<vmem>>
    %dma_wait3A_164 = tpu.memref_squeeze %dma_wait3A_163 : memref<1x128xi32, #tpu.memory_space<vmem>> -> memref<128xi32, #tpu.memory_space<vmem>>
    %dma_wait3A_165 = arith.constant 0 : i32
    %dma_wait3A_166 = arith.constant 0 : i32
    %dma_wait3A_167 = tpu.memref_slice %arg4[%dma_wait3A_165, %dma_wait3A_166] : memref<100000x128xf32, #tpu.memory_space<hbm>> -> memref<100000x128xf32, #tpu.memory_space<hbm>>
    tpu.wait_indirect_dma semaphore(%arg11 : memref<!tpu.dma_semaphore, #tpu.memory_space<semaphore_mem>>) src(%dma_wait3A_167 : memref<100000x128xf32, #tpu.memory_space<hbm>>) dst(%dma_wait3A_161 : memref<128x128xf32, #tpu.memory_space<vmem>>)
    %add3A_168 = arith.constant 128 : i32
    %add3A_169 = arith.addi %mul3A_2, %add3A_168 : i32
    %dma_wait3A_170 = arith.constant 1 : i32
    %dma_wait3A_171 = arith.constant 0 : i32
    %dma_wait3A_172 = arith.constant 0 : i32
    %dma_wait3A_173 = tpu.memref_slice %arg8[%dma_wait3A_170, %dma_wait3A_171, %dma_wait3A_172] : memref<3x128x128xf32, #tpu.memory_space<vmem>> -> memref<1x128x128xf32, #tpu.memory_space<vmem>>
    %dma_wait3A_174 = tpu.memref_squeeze %dma_wait3A_173 : memref<1x128x128xf32, #tpu.memory_space<vmem>> -> memref<128x128xf32, #tpu.memory_space<vmem>>
    %dma_wait3A_175 = arith.constant 0 : i32
    %dma_wait3A_176 = tpu.memref_slice %arg3[%add3A_169, %dma_wait3A_175] : memref<16384x128xf32, #tpu.memory_space<hbm>> -> memref<128x128xf32, #tpu.memory_space<hbm>>
    %dma_wait3A_177 = arith.constant 0 : i32
    %dma_wait3A_178 = arith.constant 0 : i32
    %dma_wait3A_179 = tpu.memref_slice %arg8[%dma_wait3A_170, %dma_wait3A_177, %dma_wait3A_178] : memref<3x128x128xf32, #tpu.memory_space<vmem>> -> memref<1x128x128xf32, #tpu.memory_space<vmem>>
    %dma_wait3A_180 = tpu.memref_squeeze %dma_wait3A_179 : memref<1x128x128xf32, #tpu.memory_space<vmem>> -> memref<128x128xf32, #tpu.memory_space<vmem>>
    %dma_wait3A_181 = arith.constant 0 : i32
    %dma_wait3A_182 = tpu.memref_slice %arg3[%add3A_169, %dma_wait3A_181] : memref<16384x128xf32, #tpu.memory_space<hbm>> -> memref<128x128xf32, #tpu.memory_space<hbm>>
    tpu.wait_dma2 semaphore(%arg15 : memref<!tpu.dma_semaphore, #tpu.memory_space<semaphore_mem>>) src(%dma_wait3A_182 : memref<128x128xf32, #tpu.memory_space<hbm>>) dst(%dma_wait3A_180 : memref<128x128xf32, #tpu.memory_space<vmem>>)
    %parallel_loop3A_183 = arith.constant 0 : i32
    %parallel_loop3A_184 = arith.constant 128 : i32
    %parallel_loop3A_185 = arith.constant 1 : i32
    %parallel_loop3A_186:8 = scf.for %parallel_loop3A_259 = %parallel_loop3A_183 to %parallel_loop3A_184 step %parallel_loop3A_185 iter_args(%parallel_loop3A_260 = %parallel_loop3A_140#0, %parallel_loop3A_261 = %parallel_loop3A_140#1, %parallel_loop3A_262 = %parallel_loop3A_140#2, %parallel_loop3A_263 = %parallel_loop3A_140#3, %parallel_loop3A_264 = %parallel_loop3A_140#4, %parallel_loop3A_265 = %parallel_loop3A_140#5, %parallel_loop3A_266 = %parallel_loop3A_140#6, %parallel_loop3A_267 = %parallel_loop3A_140#7) -> (vector<16xf32>, vector<16xf32>, vector<16xf32>, vector<16xf32>, vector<16xf32>, vector<16xf32>, vector<16xf32>, vector<16xf32>)  : i32 {
      %parallel_loop3A_268 = arith.constant 1 : i32
      %parallel_loop3A_269 = arith.index_cast %parallel_loop3A_268 : i32 to index
      %parallel_loop3A_270 = arith.index_cast %parallel_loop3A_259 : i32 to index
      %parallel_loop3A_271 = arith.constant 0 : index
      %parallel_loop3A_272 = tpu.vector_load %arg8[%parallel_loop3A_269, %parallel_loop3A_270, %parallel_loop3A_271] {strides = array<i32>} : memref<3x128x128xf32, #tpu.memory_space<vmem>>, vector<1x1x16xf32>,
      %parallel_loop3A_273 = vector.shape_cast %parallel_loop3A_272 : vector<1x1x16xf32> to vector<16xf32>
      %parallel_loop3A_274 = arith.constant 1 : i32
      %parallel_loop3A_275 = arith.index_cast %parallel_loop3A_274 : i32 to index
      %parallel_loop3A_276 = arith.index_cast %parallel_loop3A_259 : i32 to index
      %parallel_loop3A_277 = arith.constant 0 : index
      %parallel_loop3A_278 = tpu.vector_load %arg7[%parallel_loop3A_275, %parallel_loop3A_276, %parallel_loop3A_277] {strides = array<i32>} : memref<4x128x128xf32, #tpu.memory_space<vmem>>, vector<1x1x16xf32>,
      %parallel_loop3A_279 = vector.shape_cast %parallel_loop3A_278 : vector<1x1x16xf32> to vector<16xf32>
      %parallel_loop3A_280 = arith.subf %parallel_loop3A_273, %parallel_loop3A_279 : vector<16xf32>
      %parallel_loop3A_281 = arith.mulf %parallel_loop3A_280, %parallel_loop3A_280 : vector<16xf32>
      %parallel_loop3A_282 = arith.addf %parallel_loop3A_260, %parallel_loop3A_281 : vector<16xf32>
      %parallel_loop3A_283 = arith.constant 1 : i32
      %parallel_loop3A_284 = arith.index_cast %parallel_loop3A_283 : i32 to index
      %parallel_loop3A_285 = arith.index_cast %parallel_loop3A_259 : i32 to index
      %parallel_loop3A_286 = arith.constant 16 : index
      %parallel_loop3A_287 = tpu.vector_load %arg8[%parallel_loop3A_284, %parallel_loop3A_285, %parallel_loop3A_286] {strides = array<i32>} : memref<3x128x128xf32, #tpu.memory_space<vmem>>, vector<1x1x16xf32>,
      %parallel_loop3A_288 = vector.shape_cast %parallel_loop3A_287 : vector<1x1x16xf32> to vector<16xf32>
      %parallel_loop3A_289 = arith.constant 1 : i32
      %parallel_loop3A_290 = arith.index_cast %parallel_loop3A_289 : i32 to index
      %parallel_loop3A_291 = arith.index_cast %parallel_loop3A_259 : i32 to index
      %parallel_loop3A_292 = arith.constant 16 : index
      %parallel_loop3A_293 = tpu.vector_load %arg7[%parallel_loop3A_290, %parallel_loop3A_291, %parallel_loop3A_292] {strides = array<i32>} : memref<4x128x128xf32, #tpu.memory_space<vmem>>, vector<1x1x16xf32>,
      %parallel_loop3A_294 = vector.shape_cast %parallel_loop3A_293 : vector<1x1x16xf32> to vector<16xf32>
      %parallel_loop3A_295 = arith.subf %parallel_loop3A_288, %parallel_loop3A_294 : vector<16xf32>
      %parallel_loop3A_296 = arith.mulf %parallel_loop3A_295, %parallel_loop3A_295 : vector<16xf32>
      %parallel_loop3A_297 = arith.addf %parallel_loop3A_261, %parallel_loop3A_296 : vector<16xf32>
      %parallel_loop3A_298 = arith.constant 1 : i32
      %parallel_loop3A_299 = arith.index_cast %parallel_loop3A_298 : i32 to index
      %parallel_loop3A_300 = arith.index_cast %parallel_loop3A_259 : i32 to index
      %parallel_loop3A_301 = arith.constant 32 : index
      %parallel_loop3A_302 = tpu.vector_load %arg8[%parallel_loop3A_299, %parallel_loop3A_300, %parallel_loop3A_301] {strides = array<i32>} : memref<3x128x128xf32, #tpu.memory_space<vmem>>, vector<1x1x16xf32>,
      %parallel_loop3A_303 = vector.shape_cast %parallel_loop3A_302 : vector<1x1x16xf32> to vector<16xf32>
      %parallel_loop3A_304 = arith.constant 1 : i32
      %parallel_loop3A_305 = arith.index_cast %parallel_loop3A_304 : i32 to index
      %parallel_loop3A_306 = arith.index_cast %parallel_loop3A_259 : i32 to index
      %parallel_loop3A_307 = arith.constant 32 : index
      %parallel_loop3A_308 = tpu.vector_load %arg7[%parallel_loop3A_305, %parallel_loop3A_306, %parallel_loop3A_307] {strides = array<i32>} : memref<4x128x128xf32, #tpu.memory_space<vmem>>, vector<1x1x16xf32>,
      %parallel_loop3A_309 = vector.shape_cast %parallel_loop3A_308 : vector<1x1x16xf32> to vector<16xf32>
      %parallel_loop3A_310 = arith.subf %parallel_loop3A_303, %parallel_loop3A_309 : vector<16xf32>
      %parallel_loop3A_311 = arith.mulf %parallel_loop3A_310, %parallel_loop3A_310 : vector<16xf32>
      %parallel_loop3A_312 = arith.addf %parallel_loop3A_262, %parallel_loop3A_311 : vector<16xf32>
      %parallel_loop3A_313 = arith.constant 1 : i32
      %parallel_loop3A_314 = arith.index_cast %parallel_loop3A_313 : i32 to index
      %parallel_loop3A_315 = arith.index_cast %parallel_loop3A_259 : i32 to index
      %parallel_loop3A_316 = arith.constant 48 : index
      %parallel_loop3A_317 = tpu.vector_load %arg8[%parallel_loop3A_314, %parallel_loop3A_315, %parallel_loop3A_316] {strides = array<i32>} : memref<3x128x128xf32, #tpu.memory_space<vmem>>, vector<1x1x16xf32>,
      %parallel_loop3A_318 = vector.shape_cast %parallel_loop3A_317 : vector<1x1x16xf32> to vector<16xf32>
      %parallel_loop3A_319 = arith.constant 1 : i32
      %parallel_loop3A_320 = arith.index_cast %parallel_loop3A_319 : i32 to index
      %parallel_loop3A_321 = arith.index_cast %parallel_loop3A_259 : i32 to index
      %parallel_loop3A_322 = arith.constant 48 : index
      %parallel_loop3A_323 = tpu.vector_load %arg7[%parallel_loop3A_320, %parallel_loop3A_321, %parallel_loop3A_322] {strides = array<i32>} : memref<4x128x128xf32, #tpu.memory_space<vmem>>, vector<1x1x16xf32>,
      %parallel_loop3A_324 = vector.shape_cast %parallel_loop3A_323 : vector<1x1x16xf32> to vector<16xf32>
      %parallel_loop3A_325 = arith.subf %parallel_loop3A_318, %parallel_loop3A_324 : vector<16xf32>
      %parallel_loop3A_326 = arith.mulf %parallel_loop3A_325, %parallel_loop3A_325 : vector<16xf32>
      %parallel_loop3A_327 = arith.addf %parallel_loop3A_263, %parallel_loop3A_326 : vector<16xf32>
      %parallel_loop3A_328 = arith.constant 1 : i32
      %parallel_loop3A_329 = arith.index_cast %parallel_loop3A_328 : i32 to index
      %parallel_loop3A_330 = arith.index_cast %parallel_loop3A_259 : i32 to index
      %parallel_loop3A_331 = arith.constant 64 : index
      %parallel_loop3A_332 = tpu.vector_load %arg8[%parallel_loop3A_329, %parallel_loop3A_330, %parallel_loop3A_331] {strides = array<i32>} : memref<3x128x128xf32, #tpu.memory_space<vmem>>, vector<1x1x16xf32>,
      %parallel_loop3A_333 = vector.shape_cast %parallel_loop3A_332 : vector<1x1x16xf32> to vector<16xf32>
      %parallel_loop3A_334 = arith.constant 1 : i32
      %parallel_loop3A_335 = arith.index_cast %parallel_loop3A_334 : i32 to index
      %parallel_loop3A_336 = arith.index_cast %parallel_loop3A_259 : i32 to index
      %parallel_loop3A_337 = arith.constant 64 : index
      %parallel_loop3A_338 = tpu.vector_load %arg7[%parallel_loop3A_335, %parallel_loop3A_336, %parallel_loop3A_337] {strides = array<i32>} : memref<4x128x128xf32, #tpu.memory_space<vmem>>, vector<1x1x16xf32>,
      %parallel_loop3A_339 = vector.shape_cast %parallel_loop3A_338 : vector<1x1x16xf32> to vector<16xf32>
      %parallel_loop3A_340 = arith.subf %parallel_loop3A_333, %parallel_loop3A_339 : vector<16xf32>
      %parallel_loop3A_341 = arith.mulf %parallel_loop3A_340, %parallel_loop3A_340 : vector<16xf32>
      %parallel_loop3A_342 = arith.addf %parallel_loop3A_264, %parallel_loop3A_341 : vector<16xf32>
      %parallel_loop3A_343 = arith.constant 1 : i32
      %parallel_loop3A_344 = arith.index_cast %parallel_loop3A_343 : i32 to index
      %parallel_loop3A_345 = arith.index_cast %parallel_loop3A_259 : i32 to index
      %parallel_loop3A_346 = arith.constant 80 : index
      %parallel_loop3A_347 = tpu.vector_load %arg8[%parallel_loop3A_344, %parallel_loop3A_345, %parallel_loop3A_346] {strides = array<i32>} : memref<3x128x128xf32, #tpu.memory_space<vmem>>, vector<1x1x16xf32>,
      %parallel_loop3A_348 = vector.shape_cast %parallel_loop3A_347 : vector<1x1x16xf32> to vector<16xf32>
      %parallel_loop3A_349 = arith.constant 1 : i32
      %parallel_loop3A_350 = arith.index_cast %parallel_loop3A_349 : i32 to index
      %parallel_loop3A_351 = arith.index_cast %parallel_loop3A_259 : i32 to index
      %parallel_loop3A_352 = arith.constant 80 : index
      %parallel_loop3A_353 = tpu.vector_load %arg7[%parallel_loop3A_350, %parallel_loop3A_351, %parallel_loop3A_352] {strides = array<i32>} : memref<4x128x128xf32, #tpu.memory_space<vmem>>, vector<1x1x16xf32>,
      %parallel_loop3A_354 = vector.shape_cast %parallel_loop3A_353 : vector<1x1x16xf32> to vector<16xf32>
      %parallel_loop3A_355 = arith.subf %parallel_loop3A_348, %parallel_loop3A_354 : vector<16xf32>
      %parallel_loop3A_356 = arith.mulf %parallel_loop3A_355, %parallel_loop3A_355 : vector<16xf32>
      %parallel_loop3A_357 = arith.addf %parallel_loop3A_265, %parallel_loop3A_356 : vector<16xf32>
      %parallel_loop3A_358 = arith.constant 1 : i32
      %parallel_loop3A_359 = arith.index_cast %parallel_loop3A_358 : i32 to index
      %parallel_loop3A_360 = arith.index_cast %parallel_loop3A_259 : i32 to index
      %parallel_loop3A_361 = arith.constant 96 : index
      %parallel_loop3A_362 = tpu.vector_load %arg8[%parallel_loop3A_359, %parallel_loop3A_360, %parallel_loop3A_361] {strides = array<i32>} : memref<3x128x128xf32, #tpu.memory_space<vmem>>, vector<1x1x16xf32>,
      %parallel_loop3A_363 = vector.shape_cast %parallel_loop3A_362 : vector<1x1x16xf32> to vector<16xf32>
      %parallel_loop3A_364 = arith.constant 1 : i32
      %parallel_loop3A_365 = arith.index_cast %parallel_loop3A_364 : i32 to index
      %parallel_loop3A_366 = arith.index_cast %parallel_loop3A_259 : i32 to index
      %parallel_loop3A_367 = arith.constant 96 : index
      %parallel_loop3A_368 = tpu.vector_load %arg7[%parallel_loop3A_365, %parallel_loop3A_366, %parallel_loop3A_367] {strides = array<i32>} : memref<4x128x128xf32, #tpu.memory_space<vmem>>, vector<1x1x16xf32>,
      %parallel_loop3A_369 = vector.shape_cast %parallel_loop3A_368 : vector<1x1x16xf32> to vector<16xf32>
      %parallel_loop3A_370 = arith.subf %parallel_loop3A_363, %parallel_loop3A_369 : vector<16xf32>
      %parallel_loop3A_371 = arith.mulf %parallel_loop3A_370, %parallel_loop3A_370 : vector<16xf32>
      %parallel_loop3A_372 = arith.addf %parallel_loop3A_266, %parallel_loop3A_371 : vector<16xf32>
      %parallel_loop3A_373 = arith.constant 1 : i32
      %parallel_loop3A_374 = arith.index_cast %parallel_loop3A_373 : i32 to index
      %parallel_loop3A_375 = arith.index_cast %parallel_loop3A_259 : i32 to index
      %parallel_loop3A_376 = arith.constant 112 : index
      %parallel_loop3A_377 = tpu.vector_load %arg8[%parallel_loop3A_374, %parallel_loop3A_375, %parallel_loop3A_376] {strides = array<i32>} : memref<3x128x128xf32, #tpu.memory_space<vmem>>, vector<1x1x16xf32>,
      %parallel_loop3A_378 = vector.shape_cast %parallel_loop3A_377 : vector<1x1x16xf32> to vector<16xf32>
      %parallel_loop3A_379 = arith.constant 1 : i32
      %parallel_loop3A_380 = arith.index_cast %parallel_loop3A_379 : i32 to index
      %parallel_loop3A_381 = arith.index_cast %parallel_loop3A_259 : i32 to index
      %parallel_loop3A_382 = arith.constant 112 : index
      %parallel_loop3A_383 = tpu.vector_load %arg7[%parallel_loop3A_380, %parallel_loop3A_381, %parallel_loop3A_382] {strides = array<i32>} : memref<4x128x128xf32, #tpu.memory_space<vmem>>, vector<1x1x16xf32>,
      %parallel_loop3A_384 = vector.shape_cast %parallel_loop3A_383 : vector<1x1x16xf32> to vector<16xf32>
      %parallel_loop3A_385 = arith.subf %parallel_loop3A_378, %parallel_loop3A_384 : vector<16xf32>
      %parallel_loop3A_386 = arith.mulf %parallel_loop3A_385, %parallel_loop3A_385 : vector<16xf32>
      %parallel_loop3A_387 = arith.addf %parallel_loop3A_267, %parallel_loop3A_386 : vector<16xf32>
      scf.yield %parallel_loop3A_282, %parallel_loop3A_297, %parallel_loop3A_312, %parallel_loop3A_327, %parallel_loop3A_342, %parallel_loop3A_357, %parallel_loop3A_372, %parallel_loop3A_387 : vector<16xf32>, vector<16xf32>, vector<16xf32>, vector<16xf32>, vector<16xf32>, vector<16xf32>, vector<16xf32>, vector<16xf32>
    } {sc.loop_unroll_factor = 4 : i64, sc.parallel_access}
    %dma_wait3A_187 = arith.constant 2 : i32
    %dma_wait3A_188 = arith.constant 2 : i32
    %dma_wait3A_189 = arith.constant 0 : i32
    %dma_wait3A_190 = arith.constant 0 : i32
    %dma_wait3A_191 = tpu.memref_slice %arg7[%dma_wait3A_188, %dma_wait3A_189, %dma_wait3A_190] : memref<4x128x128xf32, #tpu.memory_space<vmem>> -> memref<1x128x128xf32, #tpu.memory_space<vmem>>
    %dma_wait3A_192 = tpu.memref_squeeze %dma_wait3A_191 : memref<1x128x128xf32, #tpu.memory_space<vmem>> -> memref<128x128xf32, #tpu.memory_space<vmem>>
    %dma_wait3A_193 = arith.constant 0 : i32
    %dma_wait3A_194 = tpu.memref_slice %arg6[%dma_wait3A_187, %dma_wait3A_193] : memref<4x128xi32, #tpu.memory_space<vmem>> -> memref<1x128xi32, #tpu.memory_space<vmem>>
    %dma_wait3A_195 = tpu.memref_squeeze %dma_wait3A_194 : memref<1x128xi32, #tpu.memory_space<vmem>> -> memref<128xi32, #tpu.memory_space<vmem>>
    %dma_wait3A_196 = arith.constant 0 : i32
    %dma_wait3A_197 = arith.constant 0 : i32
    %dma_wait3A_198 = tpu.memref_slice %arg4[%dma_wait3A_196, %dma_wait3A_197] : memref<100000x128xf32, #tpu.memory_space<hbm>> -> memref<100000x128xf32, #tpu.memory_space<hbm>>
    tpu.wait_indirect_dma semaphore(%arg12 : memref<!tpu.dma_semaphore, #tpu.memory_space<semaphore_mem>>) src(%dma_wait3A_198 : memref<100000x128xf32, #tpu.memory_space<hbm>>) dst(%dma_wait3A_192 : memref<128x128xf32, #tpu.memory_space<vmem>>)
    %add3A_199 = arith.constant 256 : i32
    %add3A_200 = arith.addi %mul3A_2, %add3A_199 : i32
    %dma_wait3A_201 = arith.constant 2 : i32
    %dma_wait3A_202 = arith.constant 0 : i32
    %dma_wait3A_203 = arith.constant 0 : i32
    %dma_wait3A_204 = tpu.memref_slice %arg8[%dma_wait3A_201, %dma_wait3A_202, %dma_wait3A_203] : memref<3x128x128xf32, #tpu.memory_space<vmem>> -> memref<1x128x128xf32, #tpu.memory_space<vmem>>
    %dma_wait3A_205 = tpu.memref_squeeze %dma_wait3A_204 : memref<1x128x128xf32, #tpu.memory_space<vmem>> -> memref<128x128xf32, #tpu.memory_space<vmem>>
    %dma_wait3A_206 = arith.constant 0 : i32
    %dma_wait3A_207 = tpu.memref_slice %arg3[%add3A_200, %dma_wait3A_206] : memref<16384x128xf32, #tpu.memory_space<hbm>> -> memref<128x128xf32, #tpu.memory_space<hbm>>
    %dma_wait3A_208 = arith.constant 0 : i32
    %dma_wait3A_209 = arith.constant 0 : i32
    %dma_wait3A_210 = tpu.memref_slice %arg8[%dma_wait3A_201, %dma_wait3A_208, %dma_wait3A_209] : memref<3x128x128xf32, #tpu.memory_space<vmem>> -> memref<1x128x128xf32, #tpu.memory_space<vmem>>
    %dma_wait3A_211 = tpu.memref_squeeze %dma_wait3A_210 : memref<1x128x128xf32, #tpu.memory_space<vmem>> -> memref<128x128xf32, #tpu.memory_space<vmem>>
    %dma_wait3A_212 = arith.constant 0 : i32
    %dma_wait3A_213 = tpu.memref_slice %arg3[%add3A_200, %dma_wait3A_212] : memref<16384x128xf32, #tpu.memory_space<hbm>> -> memref<128x128xf32, #tpu.memory_space<hbm>>
    tpu.wait_dma2 semaphore(%arg16 : memref<!tpu.dma_semaphore, #tpu.memory_space<semaphore_mem>>) src(%dma_wait3A_213 : memref<128x128xf32, #tpu.memory_space<hbm>>) dst(%dma_wait3A_211 : memref<128x128xf32, #tpu.memory_space<vmem>>)
    %parallel_loop3A_214 = arith.constant 0 : i32
    %parallel_loop3A_215 = arith.constant 128 : i32
    %parallel_loop3A_216 = arith.constant 1 : i32
    %parallel_loop3A_217:8 = scf.for %parallel_loop3A_259 = %parallel_loop3A_214 to %parallel_loop3A_215 step %parallel_loop3A_216 iter_args(%parallel_loop3A_260 = %parallel_loop3A_186#0, %parallel_loop3A_261 = %parallel_loop3A_186#1, %parallel_loop3A_262 = %parallel_loop3A_186#2, %parallel_loop3A_263 = %parallel_loop3A_186#3, %parallel_loop3A_264 = %parallel_loop3A_186#4, %parallel_loop3A_265 = %parallel_loop3A_186#5, %parallel_loop3A_266 = %parallel_loop3A_186#6, %parallel_loop3A_267 = %parallel_loop3A_186#7) -> (vector<16xf32>, vector<16xf32>, vector<16xf32>, vector<16xf32>, vector<16xf32>, vector<16xf32>, vector<16xf32>, vector<16xf32>)  : i32 {
      %parallel_loop3A_268 = arith.constant 2 : i32
      %parallel_loop3A_269 = arith.index_cast %parallel_loop3A_268 : i32 to index
      %parallel_loop3A_270 = arith.index_cast %parallel_loop3A_259 : i32 to index
      %parallel_loop3A_271 = arith.constant 0 : index
      %parallel_loop3A_272 = tpu.vector_load %arg8[%parallel_loop3A_269, %parallel_loop3A_270, %parallel_loop3A_271] {strides = array<i32>} : memref<3x128x128xf32, #tpu.memory_space<vmem>>, vector<1x1x16xf32>,
      %parallel_loop3A_273 = vector.shape_cast %parallel_loop3A_272 : vector<1x1x16xf32> to vector<16xf32>
      %parallel_loop3A_274 = arith.constant 2 : i32
      %parallel_loop3A_275 = arith.index_cast %parallel_loop3A_274 : i32 to index
      %parallel_loop3A_276 = arith.index_cast %parallel_loop3A_259 : i32 to index
      %parallel_loop3A_277 = arith.constant 0 : index
      %parallel_loop3A_278 = tpu.vector_load %arg7[%parallel_loop3A_275, %parallel_loop3A_276, %parallel_loop3A_277] {strides = array<i32>} : memref<4x128x128xf32, #tpu.memory_space<vmem>>, vector<1x1x16xf32>,
      %parallel_loop3A_279 = vector.shape_cast %parallel_loop3A_278 : vector<1x1x16xf32> to vector<16xf32>
      %parallel_loop3A_280 = arith.subf %parallel_loop3A_273, %parallel_loop3A_279 : vector<16xf32>
      %parallel_loop3A_281 = arith.mulf %parallel_loop3A_280, %parallel_loop3A_280 : vector<16xf32>
      %parallel_loop3A_282 = arith.addf %parallel_loop3A_260, %parallel_loop3A_281 : vector<16xf32>
      %parallel_loop3A_283 = arith.constant 2 : i32
      %parallel_loop3A_284 = arith.index_cast %parallel_loop3A_283 : i32 to index
      %parallel_loop3A_285 = arith.index_cast %parallel_loop3A_259 : i32 to index
      %parallel_loop3A_286 = arith.constant 16 : index
      %parallel_loop3A_287 = tpu.vector_load %arg8[%parallel_loop3A_284, %parallel_loop3A_285, %parallel_loop3A_286] {strides = array<i32>} : memref<3x128x128xf32, #tpu.memory_space<vmem>>, vector<1x1x16xf32>,
      %parallel_loop3A_288 = vector.shape_cast %parallel_loop3A_287 : vector<1x1x16xf32> to vector<16xf32>
      %parallel_loop3A_289 = arith.constant 2 : i32
      %parallel_loop3A_290 = arith.index_cast %parallel_loop3A_289 : i32 to index
      %parallel_loop3A_291 = arith.index_cast %parallel_loop3A_259 : i32 to index
      %parallel_loop3A_292 = arith.constant 16 : index
      %parallel_loop3A_293 = tpu.vector_load %arg7[%parallel_loop3A_290, %parallel_loop3A_291, %parallel_loop3A_292] {strides = array<i32>} : memref<4x128x128xf32, #tpu.memory_space<vmem>>, vector<1x1x16xf32>,
      %parallel_loop3A_294 = vector.shape_cast %parallel_loop3A_293 : vector<1x1x16xf32> to vector<16xf32>
      %parallel_loop3A_295 = arith.subf %parallel_loop3A_288, %parallel_loop3A_294 : vector<16xf32>
      %parallel_loop3A_296 = arith.mulf %parallel_loop3A_295, %parallel_loop3A_295 : vector<16xf32>
      %parallel_loop3A_297 = arith.addf %parallel_loop3A_261, %parallel_loop3A_296 : vector<16xf32>
      %parallel_loop3A_298 = arith.constant 2 : i32
      %parallel_loop3A_299 = arith.index_cast %parallel_loop3A_298 : i32 to index
      %parallel_loop3A_300 = arith.index_cast %parallel_loop3A_259 : i32 to index
      %parallel_loop3A_301 = arith.constant 32 : index
      %parallel_loop3A_302 = tpu.vector_load %arg8[%parallel_loop3A_299, %parallel_loop3A_300, %parallel_loop3A_301] {strides = array<i32>} : memref<3x128x128xf32, #tpu.memory_space<vmem>>, vector<1x1x16xf32>,
      %parallel_loop3A_303 = vector.shape_cast %parallel_loop3A_302 : vector<1x1x16xf32> to vector<16xf32>
      %parallel_loop3A_304 = arith.constant 2 : i32
      %parallel_loop3A_305 = arith.index_cast %parallel_loop3A_304 : i32 to index
      %parallel_loop3A_306 = arith.index_cast %parallel_loop3A_259 : i32 to index
      %parallel_loop3A_307 = arith.constant 32 : index
      %parallel_loop3A_308 = tpu.vector_load %arg7[%parallel_loop3A_305, %parallel_loop3A_306, %parallel_loop3A_307] {strides = array<i32>} : memref<4x128x128xf32, #tpu.memory_space<vmem>>, vector<1x1x16xf32>,
      %parallel_loop3A_309 = vector.shape_cast %parallel_loop3A_308 : vector<1x1x16xf32> to vector<16xf32>
      %parallel_loop3A_310 = arith.subf %parallel_loop3A_303, %parallel_loop3A_309 : vector<16xf32>
      %parallel_loop3A_311 = arith.mulf %parallel_loop3A_310, %parallel_loop3A_310 : vector<16xf32>
      %parallel_loop3A_312 = arith.addf %parallel_loop3A_262, %parallel_loop3A_311 : vector<16xf32>
      %parallel_loop3A_313 = arith.constant 2 : i32
      %parallel_loop3A_314 = arith.index_cast %parallel_loop3A_313 : i32 to index
      %parallel_loop3A_315 = arith.index_cast %parallel_loop3A_259 : i32 to index
      %parallel_loop3A_316 = arith.constant 48 : index
      %parallel_loop3A_317 = tpu.vector_load %arg8[%parallel_loop3A_314, %parallel_loop3A_315, %parallel_loop3A_316] {strides = array<i32>} : memref<3x128x128xf32, #tpu.memory_space<vmem>>, vector<1x1x16xf32>,
      %parallel_loop3A_318 = vector.shape_cast %parallel_loop3A_317 : vector<1x1x16xf32> to vector<16xf32>
      %parallel_loop3A_319 = arith.constant 2 : i32
      %parallel_loop3A_320 = arith.index_cast %parallel_loop3A_319 : i32 to index
      %parallel_loop3A_321 = arith.index_cast %parallel_loop3A_259 : i32 to index
      %parallel_loop3A_322 = arith.constant 48 : index
      %parallel_loop3A_323 = tpu.vector_load %arg7[%parallel_loop3A_320, %parallel_loop3A_321, %parallel_loop3A_322] {strides = array<i32>} : memref<4x128x128xf32, #tpu.memory_space<vmem>>, vector<1x1x16xf32>,
      %parallel_loop3A_324 = vector.shape_cast %parallel_loop3A_323 : vector<1x1x16xf32> to vector<16xf32>
      %parallel_loop3A_325 = arith.subf %parallel_loop3A_318, %parallel_loop3A_324 : vector<16xf32>
      %parallel_loop3A_326 = arith.mulf %parallel_loop3A_325, %parallel_loop3A_325 : vector<16xf32>
      %parallel_loop3A_327 = arith.addf %parallel_loop3A_263, %parallel_loop3A_326 : vector<16xf32>
      %parallel_loop3A_328 = arith.constant 2 : i32
      %parallel_loop3A_329 = arith.index_cast %parallel_loop3A_328 : i32 to index
      %parallel_loop3A_330 = arith.index_cast %parallel_loop3A_259 : i32 to index
      %parallel_loop3A_331 = arith.constant 64 : index
      %parallel_loop3A_332 = tpu.vector_load %arg8[%parallel_loop3A_329, %parallel_loop3A_330, %parallel_loop3A_331] {strides = array<i32>} : memref<3x128x128xf32, #tpu.memory_space<vmem>>, vector<1x1x16xf32>,
      %parallel_loop3A_333 = vector.shape_cast %parallel_loop3A_332 : vector<1x1x16xf32> to vector<16xf32>
      %parallel_loop3A_334 = arith.constant 2 : i32
      %parallel_loop3A_335 = arith.index_cast %parallel_loop3A_334 : i32 to index
      %parallel_loop3A_336 = arith.index_cast %parallel_loop3A_259 : i32 to index
      %parallel_loop3A_337 = arith.constant 64 : index
      %parallel_loop3A_338 = tpu.vector_load %arg7[%parallel_loop3A_335, %parallel_loop3A_336, %parallel_loop3A_337] {strides = array<i32>} : memref<4x128x128xf32, #tpu.memory_space<vmem>>, vector<1x1x16xf32>,
      %parallel_loop3A_339 = vector.shape_cast %parallel_loop3A_338 : vector<1x1x16xf32> to vector<16xf32>
      %parallel_loop3A_340 = arith.subf %parallel_loop3A_333, %parallel_loop3A_339 : vector<16xf32>
      %parallel_loop3A_341 = arith.mulf %parallel_loop3A_340, %parallel_loop3A_340 : vector<16xf32>
      %parallel_loop3A_342 = arith.addf %parallel_loop3A_264, %parallel_loop3A_341 : vector<16xf32>
      %parallel_loop3A_343 = arith.constant 2 : i32
      %parallel_loop3A_344 = arith.index_cast %parallel_loop3A_343 : i32 to index
      %parallel_loop3A_345 = arith.index_cast %parallel_loop3A_259 : i32 to index
      %parallel_loop3A_346 = arith.constant 80 : index
      %parallel_loop3A_347 = tpu.vector_load %arg8[%parallel_loop3A_344, %parallel_loop3A_345, %parallel_loop3A_346] {strides = array<i32>} : memref<3x128x128xf32, #tpu.memory_space<vmem>>, vector<1x1x16xf32>,
      %parallel_loop3A_348 = vector.shape_cast %parallel_loop3A_347 : vector<1x1x16xf32> to vector<16xf32>
      %parallel_loop3A_349 = arith.constant 2 : i32
      %parallel_loop3A_350 = arith.index_cast %parallel_loop3A_349 : i32 to index
      %parallel_loop3A_351 = arith.index_cast %parallel_loop3A_259 : i32 to index
      %parallel_loop3A_352 = arith.constant 80 : index
      %parallel_loop3A_353 = tpu.vector_load %arg7[%parallel_loop3A_350, %parallel_loop3A_351, %parallel_loop3A_352] {strides = array<i32>} : memref<4x128x128xf32, #tpu.memory_space<vmem>>, vector<1x1x16xf32>,
      %parallel_loop3A_354 = vector.shape_cast %parallel_loop3A_353 : vector<1x1x16xf32> to vector<16xf32>
      %parallel_loop3A_355 = arith.subf %parallel_loop3A_348, %parallel_loop3A_354 : vector<16xf32>
      %parallel_loop3A_356 = arith.mulf %parallel_loop3A_355, %parallel_loop3A_355 : vector<16xf32>
      %parallel_loop3A_357 = arith.addf %parallel_loop3A_265, %parallel_loop3A_356 : vector<16xf32>
      %parallel_loop3A_358 = arith.constant 2 : i32
      %parallel_loop3A_359 = arith.index_cast %parallel_loop3A_358 : i32 to index
      %parallel_loop3A_360 = arith.index_cast %parallel_loop3A_259 : i32 to index
      %parallel_loop3A_361 = arith.constant 96 : index
      %parallel_loop3A_362 = tpu.vector_load %arg8[%parallel_loop3A_359, %parallel_loop3A_360, %parallel_loop3A_361] {strides = array<i32>} : memref<3x128x128xf32, #tpu.memory_space<vmem>>, vector<1x1x16xf32>,
      %parallel_loop3A_363 = vector.shape_cast %parallel_loop3A_362 : vector<1x1x16xf32> to vector<16xf32>
      %parallel_loop3A_364 = arith.constant 2 : i32
      %parallel_loop3A_365 = arith.index_cast %parallel_loop3A_364 : i32 to index
      %parallel_loop3A_366 = arith.index_cast %parallel_loop3A_259 : i32 to index
      %parallel_loop3A_367 = arith.constant 96 : index
      %parallel_loop3A_368 = tpu.vector_load %arg7[%parallel_loop3A_365, %parallel_loop3A_366, %parallel_loop3A_367] {strides = array<i32>} : memref<4x128x128xf32, #tpu.memory_space<vmem>>, vector<1x1x16xf32>,
      %parallel_loop3A_369 = vector.shape_cast %parallel_loop3A_368 : vector<1x1x16xf32> to vector<16xf32>
      %parallel_loop3A_370 = arith.subf %parallel_loop3A_363, %parallel_loop3A_369 : vector<16xf32>
      %parallel_loop3A_371 = arith.mulf %parallel_loop3A_370, %parallel_loop3A_370 : vector<16xf32>
      %parallel_loop3A_372 = arith.addf %parallel_loop3A_266, %parallel_loop3A_371 : vector<16xf32>
      %parallel_loop3A_373 = arith.constant 2 : i32
      %parallel_loop3A_374 = arith.index_cast %parallel_loop3A_373 : i32 to index
      %parallel_loop3A_375 = arith.index_cast %parallel_loop3A_259 : i32 to index
      %parallel_loop3A_376 = arith.constant 112 : index
      %parallel_loop3A_377 = tpu.vector_load %arg8[%parallel_loop3A_374, %parallel_loop3A_375, %parallel_loop3A_376] {strides = array<i32>} : memref<3x128x128xf32, #tpu.memory_space<vmem>>, vector<1x1x16xf32>,
      %parallel_loop3A_378 = vector.shape_cast %parallel_loop3A_377 : vector<1x1x16xf32> to vector<16xf32>
      %parallel_loop3A_379 = arith.constant 2 : i32
      %parallel_loop3A_380 = arith.index_cast %parallel_loop3A_379 : i32 to index
      %parallel_loop3A_381 = arith.index_cast %parallel_loop3A_259 : i32 to index
      %parallel_loop3A_382 = arith.constant 112 : index
      %parallel_loop3A_383 = tpu.vector_load %arg7[%parallel_loop3A_380, %parallel_loop3A_381, %parallel_loop3A_382] {strides = array<i32>} : memref<4x128x128xf32, #tpu.memory_space<vmem>>, vector<1x1x16xf32>,
      %parallel_loop3A_384 = vector.shape_cast %parallel_loop3A_383 : vector<1x1x16xf32> to vector<16xf32>
      %parallel_loop3A_385 = arith.subf %parallel_loop3A_378, %parallel_loop3A_384 : vector<16xf32>
      %parallel_loop3A_386 = arith.mulf %parallel_loop3A_385, %parallel_loop3A_385 : vector<16xf32>
      %parallel_loop3A_387 = arith.addf %parallel_loop3A_267, %parallel_loop3A_386 : vector<16xf32>
      scf.yield %parallel_loop3A_282, %parallel_loop3A_297, %parallel_loop3A_312, %parallel_loop3A_327, %parallel_loop3A_342, %parallel_loop3A_357, %parallel_loop3A_372, %parallel_loop3A_387 : vector<16xf32>, vector<16xf32>, vector<16xf32>, vector<16xf32>, vector<16xf32>, vector<16xf32>, vector<16xf32>, vector<16xf32>
    } {sc.loop_unroll_factor = 4 : i64, sc.parallel_access}
    %dma_wait3A_218 = arith.constant 3 : i32
    %dma_wait3A_219 = arith.constant 3 : i32
    %dma_wait3A_220 = arith.constant 0 : i32
    %dma_wait3A_221 = arith.constant 0 : i32
    %dma_wait3A_222 = tpu.memref_slice %arg7[%dma_wait3A_219, %dma_wait3A_220, %dma_wait3A_221] : memref<4x128x128xf32, #tpu.memory_space<vmem>> -> memref<1x128x128xf32, #tpu.memory_space<vmem>>
    %dma_wait3A_223 = tpu.memref_squeeze %dma_wait3A_222 : memref<1x128x128xf32, #tpu.memory_space<vmem>> -> memref<128x128xf32, #tpu.memory_space<vmem>>
    %dma_wait3A_224 = arith.constant 0 : i32
    %dma_wait3A_225 = tpu.memref_slice %arg6[%dma_wait3A_218, %dma_wait3A_224] : memref<4x128xi32, #tpu.memory_space<vmem>> -> memref<1x128xi32, #tpu.memory_space<vmem>>
    %dma_wait3A_226 = tpu.memref_squeeze %dma_wait3A_225 : memref<1x128xi32, #tpu.memory_space<vmem>> -> memref<128xi32, #tpu.memory_space<vmem>>
    %dma_wait3A_227 = arith.constant 0 : i32
    %dma_wait3A_228 = arith.constant 0 : i32
    %dma_wait3A_229 = tpu.memref_slice %arg4[%dma_wait3A_227, %dma_wait3A_228] : memref<100000x128xf32, #tpu.memory_space<hbm>> -> memref<100000x128xf32, #tpu.memory_space<hbm>>
    tpu.wait_indirect_dma semaphore(%arg13 : memref<!tpu.dma_semaphore, #tpu.memory_space<semaphore_mem>>) src(%dma_wait3A_229 : memref<100000x128xf32, #tpu.memory_space<hbm>>) dst(%dma_wait3A_223 : memref<128x128xf32, #tpu.memory_space<vmem>>)
    %add3A_230 = arith.constant 384 : i32
    %add3A_231 = arith.addi %mul3A_2, %add3A_230 : i32
    %dma_wait3A_232 = arith.constant 0 : i32
    %dma_wait3A_233 = arith.constant 0 : i32
    %dma_wait3A_234 = arith.constant 0 : i32
    %dma_wait3A_235 = tpu.memref_slice %arg8[%dma_wait3A_232, %dma_wait3A_233, %dma_wait3A_234] : memref<3x128x128xf32, #tpu.memory_space<vmem>> -> memref<1x128x128xf32, #tpu.memory_space<vmem>>
    %dma_wait3A_236 = tpu.memref_squeeze %dma_wait3A_235 : memref<1x128x128xf32, #tpu.memory_space<vmem>> -> memref<128x128xf32, #tpu.memory_space<vmem>>
    %dma_wait3A_237 = arith.constant 0 : i32
    %dma_wait3A_238 = tpu.memref_slice %arg3[%add3A_231, %dma_wait3A_237] : memref<16384x128xf32, #tpu.memory_space<hbm>> -> memref<128x128xf32, #tpu.memory_space<hbm>>
    %dma_wait3A_239 = arith.constant 0 : i32
    %dma_wait3A_240 = arith.constant 0 : i32
    %dma_wait3A_241 = tpu.memref_slice %arg8[%dma_wait3A_232, %dma_wait3A_239, %dma_wait3A_240] : memref<3x128x128xf32, #tpu.memory_space<vmem>> -> memref<1x128x128xf32, #tpu.memory_space<vmem>>
    %dma_wait3A_242 = tpu.memref_squeeze %dma_wait3A_241 : memref<1x128x128xf32, #tpu.memory_space<vmem>> -> memref<128x128xf32, #tpu.memory_space<vmem>>
    %dma_wait3A_243 = arith.constant 0 : i32
    %dma_wait3A_244 = tpu.memref_slice %arg3[%add3A_231, %dma_wait3A_243] : memref<16384x128xf32, #tpu.memory_space<hbm>> -> memref<128x128xf32, #tpu.memory_space<hbm>>
    tpu.wait_dma2 semaphore(%arg14 : memref<!tpu.dma_semaphore, #tpu.memory_space<semaphore_mem>>) src(%dma_wait3A_244 : memref<128x128xf32, #tpu.memory_space<hbm>>) dst(%dma_wait3A_242 : memref<128x128xf32, #tpu.memory_space<vmem>>)
    %parallel_loop3A_245 = arith.constant 0 : i32
    %parallel_loop3A_246 = arith.constant 128 : i32
    %parallel_loop3A_247 = arith.constant 1 : i32
    %parallel_loop3A_248:8 = scf.for %parallel_loop3A_259 = %parallel_loop3A_245 to %parallel_loop3A_246 step %parallel_loop3A_247 iter_args(%parallel_loop3A_260 = %parallel_loop3A_217#0, %parallel_loop3A_261 = %parallel_loop3A_217#1, %parallel_loop3A_262 = %parallel_loop3A_217#2, %parallel_loop3A_263 = %parallel_loop3A_217#3, %parallel_loop3A_264 = %parallel_loop3A_217#4, %parallel_loop3A_265 = %parallel_loop3A_217#5, %parallel_loop3A_266 = %parallel_loop3A_217#6, %parallel_loop3A_267 = %parallel_loop3A_217#7) -> (vector<16xf32>, vector<16xf32>, vector<16xf32>, vector<16xf32>, vector<16xf32>, vector<16xf32>, vector<16xf32>, vector<16xf32>)  : i32 {
      %parallel_loop3A_268 = arith.constant 0 : i32
      %parallel_loop3A_269 = arith.index_cast %parallel_loop3A_268 : i32 to index
      %parallel_loop3A_270 = arith.index_cast %parallel_loop3A_259 : i32 to index
      %parallel_loop3A_271 = arith.constant 0 : index
      %parallel_loop3A_272 = tpu.vector_load %arg8[%parallel_loop3A_269, %parallel_loop3A_270, %parallel_loop3A_271] {strides = array<i32>} : memref<3x128x128xf32, #tpu.memory_space<vmem>>, vector<1x1x16xf32>,
      %parallel_loop3A_273 = vector.shape_cast %parallel_loop3A_272 : vector<1x1x16xf32> to vector<16xf32>
      %parallel_loop3A_274 = arith.constant 3 : i32
      %parallel_loop3A_275 = arith.index_cast %parallel_loop3A_274 : i32 to index
      %parallel_loop3A_276 = arith.index_cast %parallel_loop3A_259 : i32 to index
      %parallel_loop3A_277 = arith.constant 0 : index
      %parallel_loop3A_278 = tpu.vector_load %arg7[%parallel_loop3A_275, %parallel_loop3A_276, %parallel_loop3A_277] {strides = array<i32>} : memref<4x128x128xf32, #tpu.memory_space<vmem>>, vector<1x1x16xf32>,
      %parallel_loop3A_279 = vector.shape_cast %parallel_loop3A_278 : vector<1x1x16xf32> to vector<16xf32>
      %parallel_loop3A_280 = arith.subf %parallel_loop3A_273, %parallel_loop3A_279 : vector<16xf32>
      %parallel_loop3A_281 = arith.mulf %parallel_loop3A_280, %parallel_loop3A_280 : vector<16xf32>
      %parallel_loop3A_282 = arith.addf %parallel_loop3A_260, %parallel_loop3A_281 : vector<16xf32>
      %parallel_loop3A_283 = arith.constant 0 : i32
      %parallel_loop3A_284 = arith.index_cast %parallel_loop3A_283 : i32 to index
      %parallel_loop3A_285 = arith.index_cast %parallel_loop3A_259 : i32 to index
      %parallel_loop3A_286 = arith.constant 16 : index
      %parallel_loop3A_287 = tpu.vector_load %arg8[%parallel_loop3A_284, %parallel_loop3A_285, %parallel_loop3A_286] {strides = array<i32>} : memref<3x128x128xf32, #tpu.memory_space<vmem>>, vector<1x1x16xf32>,
      %parallel_loop3A_288 = vector.shape_cast %parallel_loop3A_287 : vector<1x1x16xf32> to vector<16xf32>
      %parallel_loop3A_289 = arith.constant 3 : i32
      %parallel_loop3A_290 = arith.index_cast %parallel_loop3A_289 : i32 to index
      %parallel_loop3A_291 = arith.index_cast %parallel_loop3A_259 : i32 to index
      %parallel_loop3A_292 = arith.constant 16 : index
      %parallel_loop3A_293 = tpu.vector_load %arg7[%parallel_loop3A_290, %parallel_loop3A_291, %parallel_loop3A_292] {strides = array<i32>} : memref<4x128x128xf32, #tpu.memory_space<vmem>>, vector<1x1x16xf32>,
      %parallel_loop3A_294 = vector.shape_cast %parallel_loop3A_293 : vector<1x1x16xf32> to vector<16xf32>
      %parallel_loop3A_295 = arith.subf %parallel_loop3A_288, %parallel_loop3A_294 : vector<16xf32>
      %parallel_loop3A_296 = arith.mulf %parallel_loop3A_295, %parallel_loop3A_295 : vector<16xf32>
      %parallel_loop3A_297 = arith.addf %parallel_loop3A_261, %parallel_loop3A_296 : vector<16xf32>
      %parallel_loop3A_298 = arith.constant 0 : i32
      %parallel_loop3A_299 = arith.index_cast %parallel_loop3A_298 : i32 to index
      %parallel_loop3A_300 = arith.index_cast %parallel_loop3A_259 : i32 to index
      %parallel_loop3A_301 = arith.constant 32 : index
      %parallel_loop3A_302 = tpu.vector_load %arg8[%parallel_loop3A_299, %parallel_loop3A_300, %parallel_loop3A_301] {strides = array<i32>} : memref<3x128x128xf32, #tpu.memory_space<vmem>>, vector<1x1x16xf32>,
      %parallel_loop3A_303 = vector.shape_cast %parallel_loop3A_302 : vector<1x1x16xf32> to vector<16xf32>
      %parallel_loop3A_304 = arith.constant 3 : i32
      %parallel_loop3A_305 = arith.index_cast %parallel_loop3A_304 : i32 to index
      %parallel_loop3A_306 = arith.index_cast %parallel_loop3A_259 : i32 to index
      %parallel_loop3A_307 = arith.constant 32 : index
      %parallel_loop3A_308 = tpu.vector_load %arg7[%parallel_loop3A_305, %parallel_loop3A_306, %parallel_loop3A_307] {strides = array<i32>} : memref<4x128x128xf32, #tpu.memory_space<vmem>>, vector<1x1x16xf32>,
      %parallel_loop3A_309 = vector.shape_cast %parallel_loop3A_308 : vector<1x1x16xf32> to vector<16xf32>
      %parallel_loop3A_310 = arith.subf %parallel_loop3A_303, %parallel_loop3A_309 : vector<16xf32>
      %parallel_loop3A_311 = arith.mulf %parallel_loop3A_310, %parallel_loop3A_310 : vector<16xf32>
      %parallel_loop3A_312 = arith.addf %parallel_loop3A_262, %parallel_loop3A_311 : vector<16xf32>
      %parallel_loop3A_313 = arith.constant 0 : i32
      %parallel_loop3A_314 = arith.index_cast %parallel_loop3A_313 : i32 to index
      %parallel_loop3A_315 = arith.index_cast %parallel_loop3A_259 : i32 to index
      %parallel_loop3A_316 = arith.constant 48 : index
      %parallel_loop3A_317 = tpu.vector_load %arg8[%parallel_loop3A_314, %parallel_loop3A_315, %parallel_loop3A_316] {strides = array<i32>} : memref<3x128x128xf32, #tpu.memory_space<vmem>>, vector<1x1x16xf32>,
      %parallel_loop3A_318 = vector.shape_cast %parallel_loop3A_317 : vector<1x1x16xf32> to vector<16xf32>
      %parallel_loop3A_319 = arith.constant 3 : i32
      %parallel_loop3A_320 = arith.index_cast %parallel_loop3A_319 : i32 to index
      %parallel_loop3A_321 = arith.index_cast %parallel_loop3A_259 : i32 to index
      %parallel_loop3A_322 = arith.constant 48 : index
      %parallel_loop3A_323 = tpu.vector_load %arg7[%parallel_loop3A_320, %parallel_loop3A_321, %parallel_loop3A_322] {strides = array<i32>} : memref<4x128x128xf32, #tpu.memory_space<vmem>>, vector<1x1x16xf32>,
      %parallel_loop3A_324 = vector.shape_cast %parallel_loop3A_323 : vector<1x1x16xf32> to vector<16xf32>
      %parallel_loop3A_325 = arith.subf %parallel_loop3A_318, %parallel_loop3A_324 : vector<16xf32>
      %parallel_loop3A_326 = arith.mulf %parallel_loop3A_325, %parallel_loop3A_325 : vector<16xf32>
      %parallel_loop3A_327 = arith.addf %parallel_loop3A_263, %parallel_loop3A_326 : vector<16xf32>
      %parallel_loop3A_328 = arith.constant 0 : i32
      %parallel_loop3A_329 = arith.index_cast %parallel_loop3A_328 : i32 to index
      %parallel_loop3A_330 = arith.index_cast %parallel_loop3A_259 : i32 to index
      %parallel_loop3A_331 = arith.constant 64 : index
      %parallel_loop3A_332 = tpu.vector_load %arg8[%parallel_loop3A_329, %parallel_loop3A_330, %parallel_loop3A_331] {strides = array<i32>} : memref<3x128x128xf32, #tpu.memory_space<vmem>>, vector<1x1x16xf32>,
      %parallel_loop3A_333 = vector.shape_cast %parallel_loop3A_332 : vector<1x1x16xf32> to vector<16xf32>
      %parallel_loop3A_334 = arith.constant 3 : i32
      %parallel_loop3A_335 = arith.index_cast %parallel_loop3A_334 : i32 to index
      %parallel_loop3A_336 = arith.index_cast %parallel_loop3A_259 : i32 to index
      %parallel_loop3A_337 = arith.constant 64 : index
      %parallel_loop3A_338 = tpu.vector_load %arg7[%parallel_loop3A_335, %parallel_loop3A_336, %parallel_loop3A_337] {strides = array<i32>} : memref<4x128x128xf32, #tpu.memory_space<vmem>>, vector<1x1x16xf32>,
      %parallel_loop3A_339 = vector.shape_cast %parallel_loop3A_338 : vector<1x1x16xf32> to vector<16xf32>
      %parallel_loop3A_340 = arith.subf %parallel_loop3A_333, %parallel_loop3A_339 : vector<16xf32>
      %parallel_loop3A_341 = arith.mulf %parallel_loop3A_340, %parallel_loop3A_340 : vector<16xf32>
      %parallel_loop3A_342 = arith.addf %parallel_loop3A_264, %parallel_loop3A_341 : vector<16xf32>
      %parallel_loop3A_343 = arith.constant 0 : i32
      %parallel_loop3A_344 = arith.index_cast %parallel_loop3A_343 : i32 to index
      %parallel_loop3A_345 = arith.index_cast %parallel_loop3A_259 : i32 to index
      %parallel_loop3A_346 = arith.constant 80 : index
      %parallel_loop3A_347 = tpu.vector_load %arg8[%parallel_loop3A_344, %parallel_loop3A_345, %parallel_loop3A_346] {strides = array<i32>} : memref<3x128x128xf32, #tpu.memory_space<vmem>>, vector<1x1x16xf32>,
      %parallel_loop3A_348 = vector.shape_cast %parallel_loop3A_347 : vector<1x1x16xf32> to vector<16xf32>
      %parallel_loop3A_349 = arith.constant 3 : i32
      %parallel_loop3A_350 = arith.index_cast %parallel_loop3A_349 : i32 to index
      %parallel_loop3A_351 = arith.index_cast %parallel_loop3A_259 : i32 to index
      %parallel_loop3A_352 = arith.constant 80 : index
      %parallel_loop3A_353 = tpu.vector_load %arg7[%parallel_loop3A_350, %parallel_loop3A_351, %parallel_loop3A_352] {strides = array<i32>} : memref<4x128x128xf32, #tpu.memory_space<vmem>>, vector<1x1x16xf32>,
      %parallel_loop3A_354 = vector.shape_cast %parallel_loop3A_353 : vector<1x1x16xf32> to vector<16xf32>
      %parallel_loop3A_355 = arith.subf %parallel_loop3A_348, %parallel_loop3A_354 : vector<16xf32>
      %parallel_loop3A_356 = arith.mulf %parallel_loop3A_355, %parallel_loop3A_355 : vector<16xf32>
      %parallel_loop3A_357 = arith.addf %parallel_loop3A_265, %parallel_loop3A_356 : vector<16xf32>
      %parallel_loop3A_358 = arith.constant 0 : i32
      %parallel_loop3A_359 = arith.index_cast %parallel_loop3A_358 : i32 to index
      %parallel_loop3A_360 = arith.index_cast %parallel_loop3A_259 : i32 to index
      %parallel_loop3A_361 = arith.constant 96 : index
      %parallel_loop3A_362 = tpu.vector_load %arg8[%parallel_loop3A_359, %parallel_loop3A_360, %parallel_loop3A_361] {strides = array<i32>} : memref<3x128x128xf32, #tpu.memory_space<vmem>>, vector<1x1x16xf32>,
      %parallel_loop3A_363 = vector.shape_cast %parallel_loop3A_362 : vector<1x1x16xf32> to vector<16xf32>
      %parallel_loop3A_364 = arith.constant 3 : i32
      %parallel_loop3A_365 = arith.index_cast %parallel_loop3A_364 : i32 to index
      %parallel_loop3A_366 = arith.index_cast %parallel_loop3A_259 : i32 to index
      %parallel_loop3A_367 = arith.constant 96 : index
      %parallel_loop3A_368 = tpu.vector_load %arg7[%parallel_loop3A_365, %parallel_loop3A_366, %parallel_loop3A_367] {strides = array<i32>} : memref<4x128x128xf32, #tpu.memory_space<vmem>>, vector<1x1x16xf32>,
      %parallel_loop3A_369 = vector.shape_cast %parallel_loop3A_368 : vector<1x1x16xf32> to vector<16xf32>
      %parallel_loop3A_370 = arith.subf %parallel_loop3A_363, %parallel_loop3A_369 : vector<16xf32>
      %parallel_loop3A_371 = arith.mulf %parallel_loop3A_370, %parallel_loop3A_370 : vector<16xf32>
      %parallel_loop3A_372 = arith.addf %parallel_loop3A_266, %parallel_loop3A_371 : vector<16xf32>
      %parallel_loop3A_373 = arith.constant 0 : i32
      %parallel_loop3A_374 = arith.index_cast %parallel_loop3A_373 : i32 to index
      %parallel_loop3A_375 = arith.index_cast %parallel_loop3A_259 : i32 to index
      %parallel_loop3A_376 = arith.constant 112 : index
      %parallel_loop3A_377 = tpu.vector_load %arg8[%parallel_loop3A_374, %parallel_loop3A_375, %parallel_loop3A_376] {strides = array<i32>} : memref<3x128x128xf32, #tpu.memory_space<vmem>>, vector<1x1x16xf32>,
      %parallel_loop3A_378 = vector.shape_cast %parallel_loop3A_377 : vector<1x1x16xf32> to vector<16xf32>
      %parallel_loop3A_379 = arith.constant 3 : i32
      %parallel_loop3A_380 = arith.index_cast %parallel_loop3A_379 : i32 to index
      %parallel_loop3A_381 = arith.index_cast %parallel_loop3A_259 : i32 to index
      %parallel_loop3A_382 = arith.constant 112 : index
      %parallel_loop3A_383 = tpu.vector_load %arg7[%parallel_loop3A_380, %parallel_loop3A_381, %parallel_loop3A_382] {strides = array<i32>} : memref<4x128x128xf32, #tpu.memory_space<vmem>>, vector<1x1x16xf32>,
      %parallel_loop3A_384 = vector.shape_cast %parallel_loop3A_383 : vector<1x1x16xf32> to vector<16xf32>
      %parallel_loop3A_385 = arith.subf %parallel_loop3A_378, %parallel_loop3A_384 : vector<16xf32>
      %parallel_loop3A_386 = arith.mulf %parallel_loop3A_385, %parallel_loop3A_385 : vector<16xf32>
      %parallel_loop3A_387 = arith.addf %parallel_loop3A_267, %parallel_loop3A_386 : vector<16xf32>
      scf.yield %parallel_loop3A_282, %parallel_loop3A_297, %parallel_loop3A_312, %parallel_loop3A_327, %parallel_loop3A_342, %parallel_loop3A_357, %parallel_loop3A_372, %parallel_loop3A_387 : vector<16xf32>, vector<16xf32>, vector<16xf32>, vector<16xf32>, vector<16xf32>, vector<16xf32>, vector<16xf32>, vector<16xf32>
    } {sc.loop_unroll_factor = 4 : i64, sc.parallel_access}
    %add3A_249 = arith.addf %parallel_loop3A_248#0, %parallel_loop3A_248#1 : vector<16xf32>
    %add3A_250 = arith.addf %add3A_249, %parallel_loop3A_248#2 : vector<16xf32>
    %add3A_251 = arith.addf %add3A_250, %parallel_loop3A_248#3 : vector<16xf32>
    %add3A_252 = arith.addf %add3A_251, %parallel_loop3A_248#4 : vector<16xf32>
    %add3A_253 = arith.addf %add3A_252, %parallel_loop3A_248#5 : vector<16xf32>
    %add3A_254 = arith.addf %add3A_253, %parallel_loop3A_248#6 : vector<16xf32>
    %add3A_255 = arith.addf %add3A_254, %parallel_loop3A_248#7 : vector<16xf32>
    %swap3A = arith.constant 0 : index
    %swap3A_256 = tpu.vector_load %arg9[%swap3A] {strides = array<i32>} : memref<16xf32, #tpu.memory_space<vmem>>, vector<16xf32>,
    %swap3A_257 = vector.shape_cast %swap3A_256 : vector<16xf32> to vector<16xf32>
    %swap3A_258 = vector.shape_cast %add3A_255 : vector<16xf32> to vector<16xf32>
    tpu.vector_store %arg9[%swap3A], %swap3A_258 {strides = array<i32>} : memref<16xf32, #tpu.memory_space<vmem>>, vector<16xf32>,
    "tpu.region"() ({
      %run_scoped3A = tpu.sem_alloc : memref<!tpu.dma_semaphore, #tpu.memory_space<semaphore_mem>>
      %dma_start3A_259 = arith.constant 0 : i32
      %dma_start3A_260 = tpu.memref_slice %arg5[%add3A, %dma_start3A_259] : memref<32x16xf32, #tpu.memory_space<hbm>> -> memref<1x16xf32, #tpu.memory_space<hbm>>
      %dma_start3A_261 = tpu.memref_squeeze %dma_start3A_260 : memref<1x16xf32, #tpu.memory_space<hbm>> -> memref<16xf32, #tpu.memory_space<hbm>>
      %dma_start3A_262 = arith.constant 0 : i32
      %dma_start3A_263 = tpu.memref_slice %arg5[%add3A, %dma_start3A_262] : memref<32x16xf32, #tpu.memory_space<hbm>> -> memref<1x16xf32, #tpu.memory_space<hbm>>
      %dma_start3A_264 = tpu.memref_squeeze %dma_start3A_263 : memref<1x16xf32, #tpu.memory_space<hbm>> -> memref<16xf32, #tpu.memory_space<hbm>>
      tpu.enqueue_dma source(%arg9 : memref<16xf32, #tpu.memory_space<vmem>>) target(%dma_start3A_264 : memref<16xf32, #tpu.memory_space<hbm>>) target_semaphore(%run_scoped3A : memref<!tpu.dma_semaphore, #tpu.memory_space<semaphore_mem>>)
      %dma_wait3A_265 = arith.constant 0 : i32
      %dma_wait3A_266 = tpu.memref_slice %arg5[%add3A, %dma_wait3A_265] : memref<32x16xf32, #tpu.memory_space<hbm>> -> memref<1x16xf32, #tpu.memory_space<hbm>>
      %dma_wait3A_267 = tpu.memref_squeeze %dma_wait3A_266 : memref<1x16xf32, #tpu.memory_space<hbm>> -> memref<16xf32, #tpu.memory_space<hbm>>
      %dma_wait3A_268 = arith.constant 0 : i32
      %dma_wait3A_269 = tpu.memref_slice %arg5[%add3A, %dma_wait3A_268] : memref<32x16xf32, #tpu.memory_space<hbm>> -> memref<1x16xf32, #tpu.memory_space<hbm>>
      %dma_wait3A_270 = tpu.memref_squeeze %dma_wait3A_269 : memref<1x16xf32, #tpu.memory_space<hbm>> -> memref<16xf32, #tpu.memory_space<hbm>>
      tpu.wait_dma2 semaphore(%run_scoped3A : memref<!tpu.dma_semaphore, #tpu.memory_space<semaphore_mem>>) src(%arg9 : memref<16xf32, #tpu.memory_space<vmem>>) dst(%dma_wait3A_270 : memref<16xf32, #tpu.memory_space<hbm>>)
      tpu.yield
    }) : () -> ()
    return
  }
}

</mosaic_0001>

<sc_bundles>
// kernel: kernel.3.cloned.1.call-start
scs
__scs_entry_jumppad:
0x0: {  	(pc) =	sbr.rel $0x88, $3  }
0x1: {  	(tag) =	ssettag $0x0;
	lr =	simm.s32 $0x1  }
0x2: {  	[smem:$0x3F9E] =	sst lr;
	_ =	strace $0xD0000000  }
0x3: {  	_ = 	snop  }
0x4: {  	_ = 	snop  }
0x5: {  	_ = 	snop  }
0x6: {  	_ = 	snop  }
0x7: {  	_ = 	snop  }
__scs_overlays_trampoline_lowered:
0x8: {  	[smem:$0x3FAD] =	sst s0  }
0x9: {  	[smem:$0x3FAE] =	sst s1  }
0xa: {  	[smem:$0x3FAF] =	sst s2  }
0xb: {  	[smem:$0x3FB0] =	sst s3  }
0xc: {  	[smem:$0x3FB1] =	sst s4  }
0xd: {  	[smem:$0x3FB2] =	sst s5  }
0xe: {  	[smem:$0x3FB3] =	sst s6  }
0xf: {  	[smem:$0x3FB4] =	sst s7  }
0x10: {  	[smem:$0x3FB5] =	sst s8  }
0x11: {  	[smem:$0x3FB6] =	sst s9;
	s0 =	simm.s32 @!p0 $0x0  }
0x12: {  	s1 =	sld [smem:$0x3F9C];
	s0 =	simm.s32 @p0 $0x1  }
0x13: {  	[smem:$0x3FB7] =	sst s0;
	s0 =	simm.s32 @!p1 $0x0  }
0x14: {  	s2 =	sld [smem:$0x3F9B];
	s0 =	simm.s32 @p1 $0x1  }
0x15: {  	[smem:$0x3FB8] =	sst s0;
	s0 =	simm.s32 @!p2 $0x0  }
0x16: {  	s3 =	sld [smem:$0x3FDB];
	s0 =	simm.s32 @p2 $0x1  }
0x17: {  	s4 =	simm.s32 $0x1BF5;
	[smem:$0x3FBA] =	sst s0  }
0x18: {  	s0 =	sld [smem:$0x3F9D];
	_ =	swait.ge [sflag:s4], $0x0  }
0x19: {  	s7 =	sld [smem:$0x3F9E]  }
0x1a: {  	s8 =	sadd.s32 $0xFFFFE003, lr  }
0x1b: {  	s9 =	sadd.s32 $0xFFFFFEF7, lr;
	s5 =	simm.s32 $0xFFFFFFFF;
	p2 =	slt.u32 s8, $0xFFFFF086  }
0x1c: {  	p1 =	slt.u32 s9, $0xF7A;
	s5 =	simm.s32 @!p2 $0x0  }
0x1d: {  	s5 =	simm.s32 @p1 $0x1;
	p0 =	seq.s32 s7, s2  }
0x1e: {  	s7 =	smul.u32 @!p0 $0xF7A, s2;
	p2 =	seq.s32 @!p0 s5, $0x0  }
0x1f: {  	s9 =	smul.u32 $0xF7A, s1;
	s8 =	simm.s32 @!p0 $0x1BF5;
	p2 =	por !p2, p0  }
0x20: {  	[sflag:s8] =	ssyncset.s32 @!p0 $0xFFFFF086;
	s6 =	sadd.s32 @!p0 s3, s7;
	s7 =	simm.s32 @!p0 $0x108  }
0x21: {  	s3 =	sadd.s32 s3, s9;
	s6 =	sadd.s32 @!p0 $0x88, s6;
	s7 =	simm.s32 @p2 $0x1082  }
0x22: {  	[simem:s7], [sflag:s8] =	dma.local @!p0 [hbm:s6], $0xF7A  }
0x23: {  	s9 =	sor.u32 $0xD0000000, s2;
	s6 =	simm.s32 $0x108;
	_ =	swait.ge @!p0 [sflag:s8], $0x0  }
0x24: {  	s3 =	sadd.s32 $0x88, s3;
	s6 =	simm.s32 @!p1 $0x1082;
	[sflag:s4] =	ssyncset.s32 $0xFFFFF086  }
0x25: {  	[simem:s6], [sflag:s4] =	dma.local [hbm:s3], $0xF7A  }
0x26: {  	[smem:$0x3F9E] =	sst s1;
	(tag) =	ssettag s2;
	_ =	strace s9  }
0x27: {  	s1 =	sld [smem:$0x3FAE]  }
0x28: {  	s2 =	sld [smem:$0x3FAF]  }
0x29: {  	s4 =	sld [smem:$0x3FB1]  }
0x2a: {  	p0 =	seq.s32 s5, $0x0;
	s5 =	sld [smem:$0x3FB2]  }
0x2b: {  	s6 =	sld [smem:$0x3FB3]  }
0x2c: {  	s7 =	sld [smem:$0x3FB4]  }
0x2d: {  	s3 =	simm.s32 $0x108;
	s8 =	sld [smem:$0x3FB5]  }
0x2e: {  	s3 =	simm.s32 @!p0 $0x1082;
	s9 =	sld [smem:$0x3FB6]  }
0x2f: {  	lr =	sadd.s32 s0, s3;
	s0 =	sld [smem:$0x3FAD]  }
0x30: {  	s3 =	sld [smem:$0x3FB0]  }
0x31: {  	[smem:$0x3FB9] =	sst s10  }
0x32: {  	s10 =	sld [smem:$0x3FB7];
	_ =	sdelay $0x3  }
0x33: {  	p0 =	seq.s32 s10, $0x1;
	s10 =	sld [smem:$0x3FB9];
	_ =	sdelay $0x3  }
0x34: {  	[smem:$0x3FB9] =	sst s10  }
0x35: {  	s10 =	sld [smem:$0x3FB8];
	_ =	sdelay $0x3  }
0x36: {  	p1 =	seq.s32 s10, $0x1;
	s10 =	sld [smem:$0x3FB9];
	_ =	sdelay $0x3  }
0x37: {  	[smem:$0x3FB9] =	sst s10  }
0x38: {  	s10 =	sld [smem:$0x3FBA]  }
0x39: {  	_ = 	snop;
	(pc) =	sbr.ind lr, $3  }
0x3a: {  	_ = 	snop  }
0x3b: {  	_ = 	snop  }
0x3c: {  	p2 =	seq.s32 s10, $0x1;
	s10 =	sld [smem:$0x3FB9]  }
0x3d: {  	_ =	shalt  }
0x3e: {  	_ =	shalt  }
0x3f: {  	_ =	shalt  }
0x40: {  	_ =	shalt  }
0x41: {  	_ =	shalt  }
0x42: {  	_ =	shalt  }
0x43: {  	_ =	shalt  }
0x44: {  	_ =	shalt  }
0x45: {  	_ =	shalt  }
0x46: {  	_ =	shalt  }
0x47: {  	_ =	shalt  }
0x48: {  	_ =	shalt  }
0x49: {  	_ =	shalt  }
0x4a: {  	_ =	shalt  }
0x4b: {  	_ =	shalt  }
0x4c: {  	_ =	shalt  }
0x4d: {  	_ =	shalt  }
0x4e: {  	_ =	shalt  }
0x4f: {  	_ =	shalt  }
0x50: {  	_ =	shalt  }
0x51: {  	_ =	shalt  }
0x52: {  	_ =	shalt  }
0x53: {  	_ =	shalt  }
0x54: {  	_ =	shalt  }
0x55: {  	_ =	shalt  }
0x56: {  	_ =	shalt  }
0x57: {  	_ =	shalt  }
0x58: {  	_ =	shalt  }
0x59: {  	_ =	shalt  }
0x5a: {  	_ =	shalt  }
0x5b: {  	_ =	shalt  }
0x5c: {  	_ =	shalt  }
0x5d: {  	_ =	shalt  }
0x5e: {  	_ =	shalt  }
0x5f: {  	_ =	shalt  }
0x60: {  	_ =	shalt  }
0x61: {  	_ =	shalt  }
0x62: {  	_ =	shalt  }
0x63: {  	_ =	shalt  }
0x64: {  	_ =	shalt  }
0x65: {  	_ =	shalt  }
0x66: {  	_ =	shalt  }
0x67: {  	_ =	shalt  }
0x68: {  	_ =	shalt  }
0x69: {  	_ =	shalt  }
0x6a: {  	_ =	shalt  }
0x6b: {  	_ =	shalt  }
0x6c: {  	_ =	shalt  }
0x6d: {  	_ =	shalt  }
0x6e: {  	_ =	shalt  }
0x6f: {  	_ =	shalt  }
0x70: {  	_ =	shalt  }
0x71: {  	_ =	shalt  }
0x72: {  	_ =	shalt  }
0x73: {  	_ =	shalt  }
0x74: {  	_ =	shalt  }
0x75: {  	_ =	shalt  }
0x76: {  	_ =	shalt  }
0x77: {  	_ =	shalt  }
0x78: {  	_ =	shalt  }
0x79: {  	_ =	shalt  }
0x7a: {  	_ =	shalt  }
0x7b: {  	_ =	shalt  }
0x7c: {  	_ =	shalt  }
0x7d: {  	_ =	shalt  }
0x7e: {  	_ =	shalt  }
0x7f: {  	_ =	shalt  }
0x80: {  	_ =	shalt  }
0x81: {  	_ =	shalt  }
0x82: {  	_ =	shalt  }
0x83: {  	_ =	shalt  }
0x84: {  	_ =	shalt  }
0x85: {  	_ =	shalt  }
0x86: {  	_ =	shalt  }
0x87: {  	_ =	shalt  }
.Lfunc_end0:
.L_simem_size_0:
called_computation_lowered:
.L_overlay_start_0:
0x88: {  	s2 =	sld [smem:$0x3FD9]  }
0x89: {  	s3 =	sld [smem:$0x3FFE];
	_ =	sdelay $0x1  }
0x8a: {  	s1 =	srdreg.scid  }
0x8b: {  	s0 =	sand.u32 $0x1, s1  }
0x8c: {  	s17 =	sshll.u32 s0, $0xA;
	s2 =	sadd.s32 s3, s2  }
0x8d: {  	s2 =	sadd.s32 s2, s17  }
0x8e: {  	[smem:$0x3FC5] =	sst s2  }
0x8f: {  	_ = 	snop  }
0x90: {  	s2 =	sld [smem:$0x3FC9]  }
0x91: {  	s18 =	sld [smem:$0x3FC8]  }
0x92: {  	s4 =	sld [smem:$0x3FC7];
	(tm) =	ssettm $0x1  }
0x93: {  	s5 =	sld [smem:$0x3FFB];
	_ =	sdelay $0x3  }
0x94: {  	_ =	strace s5  }
0x95: {  	s5 =	sld [smem:$0x3FFC];
	_ =	sdelay $0x3  }
0x96: {  	_ =	strace s5  }
0x97: {  	s5 =	sld [smem:$0x3FFD];
	_ =	sdelay $0x3  }
0x98: {  	_ =	strace s5  }
0x99: {  	_ =	strace $0x8FFFFFFF  }
0x9a: {  	s19 =	sld [smem:$0x3FDB];
	_ =	sdelay $0x1  }
0x9b: {  	s6 =	simm.s32 $_scs_section_size  }
0x9c: {  	s7 =	simm.s32 $_size__tile_overlayer_lowered;
	s8 =	simm.s32 $_tile_overlayer_lowered  }
0x9d: {  	s22 =	simm.s32 $0x1BFF;
	s21 =	sshll.u32 s8, $0x1;
	s5 =	sadd.s32 s6, s19  }
0x9e: {  	s9 =	simm.s32 $0x0;
	s20 =	sshll.u32 s7, $0x1;
	s7 =	sadd.s32 s21, s5  }
0x9f: {  	[timem:s9], [sflag:s22] =	dma.local [hbm:s7], s20  }
0xa0: {  	_ =	swait.ge [sflag:s22], s20  }
0xa1: {  	s6 =	ssub.s32 $0x0, s20;
	[sflag:s22] =	ssyncset.done $0x0  }
0xa2: {  	[sflag:s22] =	ssyncadd.s32 s6;
	_ =	sdelay $0x1  }
0xa3: {  	s23 =	simm.s32 $0x1B8B  }
0xa4: {  	_ =	swait.ge [sflag:s23], $0x1  }
0xa5: {  	[sflag:s23] =	ssyncset.done $0x0  }
0xa6: {  	s25 =	simm.s32 $0x1B8E;
	s24 =	sld [smem:$0x3FFE];
	[sflag:s23] =	ssyncadd.s32 $0xFFFFFFFF  }
0xa7: {  	s26 =	simm.s32 $execute0_lowered;
	[smem:$0x3FD2] =	sst s25  }
0xa8: {  	s7 =	sshll.u32 s26, $0x1;
	_ =	strace $0x80000046;
	[dreg:$0x1] =	wrdreg $0xFFFFFFFF  }
0xa9: {  	s28 =	simm.s32 $_size_execute0_lowered;
	s5 =	sadd.s32 s5, s7;
	[dreg:$0x0] =	wrdreg $0x0  }
0xaa: {  	s7 =	sshll.u32 s28, $0x1;
	[dreg:$0x2] =	wrdreg s5  }
0xab: {  	[dreg:$0x3] =	wrdreg s7  }
0xac: {  	[dreg:$0x4] =	wrdreg $0xC0  }
0xad: {  	_ =	task [dreg:s9], $0x5FFFF  }
0xae: {  	[dreg:$0x1] =	wrdreg $0xFFFFFFFF  }
0xaf: {  	[dreg:$0x0] =	wrdreg $0x60  }
0xb0: {  	[dreg:$0x2] =	wrdreg s2  }
0xb1: {  	[dreg:$0x3] =	wrdreg s18  }
0xb2: {  	[dreg:$0x4] =	wrdreg s4  }
0xb3: {  	[dreg:$0x5] =	wrdreg s24  }
0xb4: {  	[dreg:$0x6] =	wrdreg $0x9  }
0xb5: {  	_ =	task.clear_ibuf [dreg:s9], $0x7FFFF;
	_ =	strace $0x90000046  }
0xb6: {  	s29 =	simm.s32 $0x9;
	_ =	strace $0x80000048  }
0xb7: {  	_ =	swait.ge [sflag:s29], $0x1  }
0xb8: {  	[sflag:s29] =	ssyncadd.s32 $0xFFFFFFFF  }
0xb9: {  	_ =	strace $0x90000048  }
0xba: {  	_ =	sfence  }
0xbb: {  	s30 =	sld [smem:$0x0];
	_ =	sdelay $0x2  }
0xbc: {  	s31 =	sshll.u32 s1, $0xD;
	s1 =	sshrl.u32 s1, $0x2  }
0xbd: {  	s3 =	sand.u32 $0x4000, s31;
	s1 =	sadd.s32 s1, s30  }
0xbe: {  	s0 =	sor.u32 s3, s0;
	s1 =	sshll.u32 s1, $0x11  }
0xbf: {  	s0 =	sor.u32 s1, s0  }
0xc0: {  	s0 =	sadd.s32 $0x8F2B, s0  }
0xc1: {  	[sflag:s0] =	ssyncadd.remote.s32 $0x1  }
0xc2: {  	_ =	sfence.sel $0xFFFF  }
0xc3: {  	[dreg:$0x0] =	wrdreg $0xFFFFFFFF;
	(pc) =	sbr.abs _section_cstart, $3  }
0xc4: {  	[dreg:$0x1] =	wrdreg $0xFFFFFFFF  }
0xc5: {  	_ =	task.clear_ibuf [dreg:s9], $0x2FFFF;
	_ =	strace $0x9FFFFFFF  }
0xc6: {  	(tm) =	ssettm $0x7FFFFFFF  }
0xc7: {  	_ =	shalt  }
tec
execute0_lowered:
.L_overlay_start_1:
0x0: {  	(tag) =	ssettag $0x1  }
0x1: {  	s0 =	rddreg [dreg:$0x0]  }
0x2: {  	s2 =	rddreg [dreg:$0x1]  }
0x3: {  	s1 =	rddreg [dreg:$0x2]  }
0x4: {  	s9 =	rddreg [dreg:$0x3];
	s4 =	srdreg.scid  }
0x5: {  	s3 =	simm.s32 $0x0;
	s11 =	stileid.u32;
	s12 =	simm.s32 $0x80  }
0x6: {  	s13 =	simm.s32 $0x200;
	s14 =	simm.s32 $0x10200;
	s15 =	simm.s32 $0x4200  }
0x7: {  	s16 =	simm.s32 $0x14200;
	s17 =	simm.s32 $0x100;
	s18 =	simm.s32 $0x8200  }
0x8: {  	s19 =	simm.s32 $0x18200;
	s20 =	simm.s32 $0x180;
	s21 =	simm.s32 $0xC200  }
0x9: {  	s22 =	simm.s32 $0x1;
	s23 =	simm.s32 $0x5;
	s28 =	simm.s32 $0x7  }
0xa: {  	s29 =	simm.s32 $0x4;
	s30 =	simm.s32 $0x1C200;
	s31 =	simm.s32 $0x0  }
0xb: {  	s4 =	sand.u32 $0x1, s4;
	[smem:$0x7FF] =	sst s3;
	s6 =	sshll.u32 s11, $0x1  }
0xc: {  	s25 =	sshll.u32 s11, $0x7;
	s11 =	simm.s32 $0x8;
	s5 =	ssub.s32 $0x2, s4  }
0xd: {  	_ =	strace $0x80000047;
	s8 =	sor.u32 s4, s6;
	s4 =	sshll.u32 s4, $0x6  }
0xe: {  	s7 =	sshrl.u32 s5, $0x1;
	s24 =	sshll.u32 s8, $0xD;
	s0 =	sadd.s32 s0, s4  }
0xf: {  	s26 =	sshll.u32 s8, $0x4;
	s10 =	ssub.s32 s5, s7;
	s4 =	sadd.s32 s2, s24  }
0x10: {  	s5 =	sadd.s32 s25, s0;
	s9 =	sadd.s32 s9, s26;
	s24 =	simm.s32 $0x2  }
0x11: {  	s25 =	simm.s32 $0x6;
	s26 =	simm.s32 $0x3;
	s6 =	sadd.s32 $0x800, s4  }
0x12: {  	s7 =	sadd.s32 $0x1000, s4;
	s8 =	sadd.s32 $0x1800, s4;
	s10 =	smax.u32 s10, $0x1  }
.LBB2_1:
0x13: {  	[tilespmem:s3], [sflag:$0x8] =	stream.linear.gather [hbm4b:s5+s3], $0x200, $0x38;
	[tilespmem:$0x1C280] =	vst v63  }
0x14: {  	_ =	swait.ge [sflag:s11], $0x200  }
0x15: {  	[sflag:s11] =	ssyncset.done $0x0  }
0x16: {  	[sflag:s11] =	ssyncadd.s32 $0xFFFFFE00  }
0x17: {  	[tilespmem:s13], [sflag:$0x1] =	stream.indirect.gather [hbm4b:s1+s12], $0x80, s3, s12, $0xb8;
	[tilespmem:$0x1C280] =	vst v63  }
0x18: {  	_ = 	snop  }
0x19: {  	[tilespmem:s14], [sflag:$0x5] =	stream.linear.gather [hbm4b:s4+s3], $0x4000, $0x38;
	[tilespmem:$0x1C280] =	vst v63  }
0x1a: {  	_ = 	snop  }
0x1b: {  	[tilespmem:s15], [sflag:$0x2] =	stream.indirect.gather [hbm4b:s1+s12], $0x80, s12, s12, $0xb8;
	[tilespmem:$0x1C280] =	vst v63  }
0x1c: {  	_ = 	snop  }
0x1d: {  	[tilespmem:s16], [sflag:$0x6] =	stream.linear.gather [hbm4b:s6+s3], $0x4000, $0x38;
	[tilespmem:$0x1C280] =	vst v63  }
0x1e: {  	_ = 	snop  }
0x1f: {  	[tilespmem:s18], [sflag:$0x3] =	stream.indirect.gather [hbm4b:s1+s12], $0x80, s17, s12, $0xb8;
	[tilespmem:$0x1C280] =	vst v63  }
0x20: {  	_ = 	snop  }
0x21: {  	[tilespmem:s19], [sflag:$0x7] =	stream.linear.gather [hbm4b:s7+s3], $0x4000, $0x38;
	[tilespmem:$0x1C280] =	vst v63  }
0x22: {  	_ = 	snop  }
0x23: {  	[tilespmem:s21], [sflag:$0x4] =	stream.indirect.gather [hbm4b:s1+s12], $0x80, s20, s12, $0xb8;
	[tilespmem:$0x1C280] =	vst v63  }
0x24: {  	_ =	swait.ge [sflag:s22], $0x4000  }
0x25: {  	[sflag:s22] =	ssyncset.done $0x0  }
0x26: {  	[sflag:s22] =	ssyncadd.s32 $0xFFFFC000  }
0x27: {  	_ =	swait.ge [sflag:s23], $0x4000  }
0x28: {  	[sflag:s23] =	ssyncset.done $0x0  }
0x29: {  	s2 =	simm.s32 $0x0;
	[sflag:s23] =	ssyncadd.s32 $0xFFFFC000  }
0x2a: {  	v0 =	vld [tilespmem:s2+$0x10270]  }
0x2b: {  	v1 =	vld [tilespmem:s2+$0x270]  }
0x2c: {  	v2 =	vld [tilespmem:s2+$0x10200]  }
0x2d: {  	v3 =	vld [tilespmem:s2+$0x200]  }
0x2e: {  	v4 =	vld [tilespmem:s2+$0x10210]  }
0x2f: {  	v5 =	vld [tilespmem:s2+$0x210]  }
0x30: {  	v6 =	vld [tilespmem:s2+$0x10220]  }
0x31: {  	v7 =	vld [tilespmem:s2+$0x220]  }
0x32: {  	v9 =	vld [tilespmem:s2+$0x10230]  }
0x33: {  	v10 =	vld [tilespmem:s2+$0x230];
	_ =	sdelay $0x2  }
0x34: {  	v14 =	vld [tilespmem:s2+$0x10240];
	v0 =	vsub.f32 v0, v1;
	v1 =	vsub.f32 v2, v3  }
0x35: {  	v2 =	vsub.f32 v4, v5;
	v5 =	vld [tilespmem:s2+$0x240];
	v3 =	vsub.f32 v6, v7  }
0x36: {  	v8 =	vld [tilespmem:s2+$0x10250];
	v4 =	vimm.f32 $0.0e+00;
	v6 =	vsub.f32 v9, v10;
	v0 =	vmul.f32 v0, v0  }
0x37: {  	v11 =	vld [tilespmem:s2+$0x250];
	v7 =	vimm.f32 $0.0e+00;
	v1 =	vmul.f32 v1, v1;
	v2 =	vmul.f32 v2, v2  }
0x38: {  	v12 =	vld [tilespmem:s2+$0x260];
	v3 =	vmul.f32 v3, v3;
	v13 =	vmul.f32 v6, v6;
	v0 =	vadd.f32 v0, v4  }
0x39: {  	s0 =	simm.s32 $0x80;
	v9 =	vld [tilespmem:s2+$0x10260];
	v6 =	vimm.f32 $0.0e+00;
	v1 =	vadd.f32 v1, v4;
	v2 =	vadd.f32 v2, v4  }
0x3a: {  	v10 =	vld [tilespmem:s0+$0x10270];
	s2 =	simm.s32 $0x400;
	v3 =	vadd.f32 v3, v4;
	v14 =	vsub.f32 v14, v5;
	v5 =	vimm.f32 $0.0e+00  }
.LBB2_2:
0x3b: {  	p0 =	sne.s32 s2, $0xFE00;
	v15 =	vld [tilespmem:s0+$0x270]  }
0x3c: {  	v16 =	vld [tilespmem:s0+$0x10200];
	v4 =	vadd.f32 v13, v4;
	v13 =	vmul.f32 v14, v14;
	v8 =	vsub.f32 v8, v11  }
0x3d: {  	v11 =	vld [tilespmem:s0+$0x200]  }
0x3e: {  	v14 =	vld [tilespmem:s0+$0x10210];
	v7 =	vadd.f32 v13, v7;
	v8 =	vmul.f32 v8, v8;
	v9 =	vsub.f32 v9, v12  }
0x3f: {  	v12 =	vld [tilespmem:s0+$0x210]  }
0x40: {  	v13 =	vld [tilespmem:s0+$0x10220];
	v10 =	vsub.f32 v10, v15;
	v6 =	vadd.f32 v8, v6;
	v8 =	vmul.f32 v9, v9  }
0x41: {  	v9 =	vld [tilespmem:s0+$0x220]  }
0x42: {  	v11 =	vsub.f32 v16, v11;
	v15 =	vld [tilespmem:s0+$0x10230];
	v10 =	vmul.f32 v10, v10;
	v5 =	vadd.f32 v8, v5  }
0x43: {  	v16 =	vld [tilespmem:s0+$0x230]  }
0x44: {  	v8 =	vmul.f32 v11, v11;
	v11 =	vsub.f32 v14, v12;
	v14 =	vld [tilespmem:s0+$0x10240];
	v0 =	vadd.f32 v10, v0  }
0x45: {  	v17 =	vld [tilespmem:s0+$0x240]  }
.Ltmp0:
0x46: {  	v1 =	vadd.f32 v8, v1;
	v10 =	vmul.f32 v11, v11;
	v9 =	vsub.f32 v13, v9;
	v8 =	vld [tilespmem:s0+$0x10250];
	(pc) =	sbr.rel @p0 .LBB2_2-.Ltmp0, $4  }
0x47: {  	v11 =	vld [tilespmem:s0+$0x250]  }
0x48: {  	v2 =	vadd.f32 v10, v2;
	v13 =	vmul.f32 v9, v9;
	v15 =	vsub.f32 v15, v16;
	v9 =	vld [tilespmem:s0+$0x10260]  }
0x49: {  	v12 =	vld [tilespmem:s0+$0x260];
	s0 =	sshra.s32 s2, $0x2  }
0x4a: {  	s2 =	sadd.s32 $0x200, s2;
	v10 =	vld [tilespmem:s0+$0x10270];
	v3 =	vadd.f32 v13, v3;
	v13 =	vmul.f32 v15, v15;
	v14 =	vsub.f32 v14, v17  }
0x4b: {  	v15 =	vld [tilespmem:s0+$0x270]  }
0x4c: {  	v16 =	vld [tilespmem:s0+$0x10200]  }
0x4d: {  	v17 =	vld [tilespmem:s0+$0x200]  }
0x4e: {  	v18 =	vld [tilespmem:s0+$0x10210]  }
0x4f: {  	v19 =	vld [tilespmem:s0+$0x210]  }
0x50: {  	v20 =	vld [tilespmem:s0+$0x10220]  }
0x51: {  	v21 =	vld [tilespmem:s0+$0x220]  }
0x52: {  	v22 =	vld [tilespmem:s0+$0x10230]  }
0x53: {  	v23 =	vld [tilespmem:s0+$0x230]  }
0x54: {  	v24 =	vld [tilespmem:s0+$0x10240]  }
0x55: {  	v25 =	vld [tilespmem:s0+$0x240]  }
0x56: {  	v26 =	vld [tilespmem:s0+$0x10250]  }
0x57: {  	v27 =	vld [tilespmem:s0+$0x250]  }
0x58: {  	v28 =	vld [tilespmem:s0+$0x10260];
	s2 =	simm.s32 $0x0  }
0x59: {  	v29 =	vld [tilespmem:s0+$0x260];
	[tilespmem:s14], [sflag:$0x5] =	stream.linear.gather [hbm4b:s8+s2], $0x4000, $0x38  }
0x5a: {  	_ =	swait.ge [sflag:s24], $0x4000  }
0x5b: {  	[sflag:s24] =	ssyncset.done $0x0  }
0x5c: {  	[sflag:s24] =	ssyncadd.s32 $0xFFFFC000  }
0x5d: {  	_ =	swait.ge [sflag:s25], $0x4000  }
0x5e: {  	v8 =	vsub.f32 v8, v11;
	[sflag:s25] =	ssyncset.done $0x0  }
0x5f: {  	v11 =	vmul.f32 v14, v14;
	s2 =	simm.s32 $0x0;
	[sflag:s25] =	ssyncadd.s32 $0xFFFFC000  }
0x60: {  	v8 =	vmul.f32 v8, v8;
	v9 =	vsub.f32 v9, v12;
	v12 =	vld [tilespmem:s2+$0x14270]  }
0x61: {  	v4 =	vadd.f32 v13, v4;
	v7 =	vadd.f32 v11, v7;
	v11 =	vld [tilespmem:s2+$0x4270]  }
0x62: {  	v10 =	vsub.f32 v10, v15;
	v6 =	vadd.f32 v8, v6;
	v8 =	vmul.f32 v9, v9;
	v9 =	vld [tilespmem:s2+$0x14200]  }
0x63: {  	v13 =	vsub.f32 v16, v17;
	v14 =	vsub.f32 v18, v19;
	v15 =	vld [tilespmem:s2+$0x4200]  }
0x64: {  	v5 =	vadd.f32 v8, v5;
	v8 =	vmul.f32 v10, v10;
	v10 =	vsub.f32 v20, v21;
	v54 =	vld [tilespmem:s2+$0x14210]  }
0x65: {  	v55 =	vsub.f32 v22, v23;
	v13 =	vmul.f32 v13, v13;
	v14 =	vmul.f32 v14, v14;
	v56 =	vld [tilespmem:s2+$0x4210]  }
0x66: {  	v57 =	vadd.f32 v8, v0;
	v0 =	vmul.f32 v10, v10;
	v8 =	vsub.f32 v24, v25;
	v10 =	vld [tilespmem:s2+$0x14220]  }
0x67: {  	v13 =	vadd.f32 v13, v1;
	v14 =	vadd.f32 v14, v2;
	v1 =	vmul.f32 v55, v55;
	v2 =	vld [tilespmem:s2+$0x4220]  }
0x68: {  	v59 =	vld [tilespmem:s2+$0x14230];
	v58 =	vadd.f32 v0, v3;
	v3 =	vmul.f32 v8, v8;
	v8 =	vsub.f32 v26, v27  }
0x69: {  	v60 =	vld [tilespmem:s2+$0x4230];
	v0 =	vadd.f32 v1, v4;
	v1 =	vsub.f32 v28, v29  }
0x6a: {  	v61 =	vld [tilespmem:s2+$0x14240];
	v4 =	vadd.f32 v3, v7;
	v3 =	vmul.f32 v8, v8;
	v8 =	vsub.f32 v12, v11  }
0x6b: {  	v9 =	vsub.f32 v9, v15;
	v1 =	vmul.f32 v1, v1;
	v11 =	vsub.f32 v54, v56;
	v15 =	vld [tilespmem:s2+$0x4240]  }
0x6c: {  	v2 =	vsub.f32 v10, v2;
	v7 =	vadd.f32 v3, v6;
	v3 =	vmul.f32 v8, v8;
	v8 =	vld [tilespmem:s2+$0x14250]  }
0x6d: {  	v6 =	vadd.f32 v1, v5;
	v5 =	vmul.f32 v9, v9;
	v10 =	vmul.f32 v11, v11;
	v11 =	vld [tilespmem:s2+$0x4250]  }
0x6e: {  	v63 =	vsub.f32 v59, v60;
	v12 =	vld [tilespmem:s2+$0x4260];
	v62 =	vmul.f32 v2, v2;
	v1 =	vadd.f32 v3, v57  }
0x6f: {  	s0 =	simm.s32 $0x80;
	v9 =	vld [tilespmem:s2+$0x14260];
	v2 =	vadd.f32 v5, v13;
	v3 =	vadd.f32 v10, v14  }
0x70: {  	s2 =	simm.s32 $0x400;
	v10 =	vld [tilespmem:s0+$0x14270];
	v13 =	vmul.f32 v63, v63;
	v5 =	vadd.f32 v62, v58;
	v14 =	vsub.f32 v61, v15  }
.LBB2_4:
0x71: {  	p0 =	sne.s32 s2, $0xFE00;
	v15 =	vld [tilespmem:s0+$0x4270]  }
0x72: {  	v16 =	vld [tilespmem:s0+$0x14200];
	v0 =	vadd.f32 v13, v0;
	v13 =	vmul.f32 v14, v14;
	v8 =	vsub.f32 v8, v11  }
0x73: {  	v11 =	vld [tilespmem:s0+$0x4200]  }
0x74: {  	v14 =	vld [tilespmem:s0+$0x14210];
	v4 =	vadd.f32 v13, v4;
	v8 =	vmul.f32 v8, v8;
	v9 =	vsub.f32 v9, v12  }
0x75: {  	v12 =	vld [tilespmem:s0+$0x4210]  }
0x76: {  	v13 =	vld [tilespmem:s0+$0x14220];
	v10 =	vsub.f32 v10, v15;
	v7 =	vadd.f32 v8, v7;
	v8 =	vmul.f32 v9, v9  }
0x77: {  	v9 =	vld [tilespmem:s0+$0x4220]  }
0x78: {  	v11 =	vsub.f32 v16, v11;
	v15 =	vld [tilespmem:s0+$0x14230];
	v10 =	vmul.f32 v10, v10;
	v6 =	vadd.f32 v8, v6  }
0x79: {  	v16 =	vld [tilespmem:s0+$0x4230]  }
0x7a: {  	v8 =	vmul.f32 v11, v11;
	v11 =	vsub.f32 v14, v12;
	v14 =	vld [tilespmem:s0+$0x14240];
	v1 =	vadd.f32 v10, v1  }
0x7b: {  	v17 =	vld [tilespmem:s0+$0x4240]  }
.Ltmp1:
0x7c: {  	v2 =	vadd.f32 v8, v2;
	v10 =	vmul.f32 v11, v11;
	v9 =	vsub.f32 v13, v9;
	v8 =	vld [tilespmem:s0+$0x14250];
	(pc) =	sbr.rel @p0 .LBB2_4-.Ltmp1, $4  }
0x7d: {  	v11 =	vld [tilespmem:s0+$0x4250]  }
0x7e: {  	v3 =	vadd.f32 v10, v3;
	v13 =	vmul.f32 v9, v9;
	v15 =	vsub.f32 v15, v16;
	v9 =	vld [tilespmem:s0+$0x14260]  }
0x7f: {  	v12 =	vld [tilespmem:s0+$0x4260];
	s0 =	sshra.s32 s2, $0x2  }
0x80: {  	s2 =	sadd.s32 $0x200, s2;
	v10 =	vld [tilespmem:s0+$0x14270];
	v5 =	vadd.f32 v13, v5;
	v13 =	vmul.f32 v15, v15;
	v14 =	vsub.f32 v14, v17  }
0x81: {  	v15 =	vld [tilespmem:s0+$0x4270]  }
0x82: {  	v16 =	vld [tilespmem:s0+$0x14200]  }
0x83: {  	v17 =	vld [tilespmem:s0+$0x4200]  }
0x84: {  	v18 =	vld [tilespmem:s0+$0x14210]  }
0x85: {  	v19 =	vld [tilespmem:s0+$0x4210]  }
0x86: {  	v20 =	vld [tilespmem:s0+$0x14220]  }
0x87: {  	v21 =	vld [tilespmem:s0+$0x4220]  }
0x88: {  	v22 =	vld [tilespmem:s0+$0x14230]  }
0x89: {  	v23 =	vld [tilespmem:s0+$0x4230]  }
0x8a: {  	v24 =	vld [tilespmem:s0+$0x14240]  }
0x8b: {  	v25 =	vld [tilespmem:s0+$0x4240]  }
0x8c: {  	v26 =	vld [tilespmem:s0+$0x14250]  }
0x8d: {  	v27 =	vld [tilespmem:s0+$0x4250]  }
0x8e: {  	v28 =	vld [tilespmem:s0+$0x14260]  }
0x8f: {  	v29 =	vld [tilespmem:s0+$0x4260];
	_ =	swait.ge [sflag:s26], $0x4000  }
0x90: {  	[sflag:s26] =	ssyncset.done $0x0  }
0x91: {  	[sflag:s26] =	ssyncadd.s32 $0xFFFFC000  }
0x92: {  	_ =	swait.ge [sflag:s28], $0x4000  }
0x93: {  	v8 =	vsub.f32 v8, v11;
	[sflag:s28] =	ssyncset.done $0x0  }
0x94: {  	s2 =	simm.s32 $0x0;
	v11 =	vmul.f32 v14, v14;
	[sflag:s28] =	ssyncadd.s32 $0xFFFFC000  }
0x95: {  	v8 =	vmul.f32 v8, v8;
	v9 =	vsub.f32 v9, v12;
	v12 =	vld [tilespmem:s2+$0x18270]  }
0x96: {  	v4 =	vadd.f32 v11, v4;
	v11 =	vld [tilespmem:s2+$0x8270]  }
0x97: {  	v7 =	vadd.f32 v8, v7;
	v8 =	vmul.f32 v9, v9;
	v9 =	vld [tilespmem:s2+$0x18200]  }
0x98: {  	v0 =	vadd.f32 v13, v0;
	v10 =	vsub.f32 v10, v15;
	v15 =	vld [tilespmem:s2+$0x8200]  }
0x99: {  	v13 =	vsub.f32 v16, v17;
	v14 =	vsub.f32 v18, v19;
	v56 =	vld [tilespmem:s2+$0x18210]  }
0x9a: {  	v58 =	vld [tilespmem:s2+$0x8210];
	v6 =	vadd.f32 v8, v6;
	v8 =	vmul.f32 v10, v10;
	v10 =	vsub.f32 v20, v21  }
0x9b: {  	v57 =	vsub.f32 v22, v23;
	v59 =	vld [tilespmem:s2+$0x18220];
	v13 =	vmul.f32 v13, v13;
	v14 =	vmul.f32 v14, v14  }
0x9c: {  	v60 =	vld [tilespmem:s2+$0x18230];
	v1 =	vadd.f32 v8, v1;
	v8 =	vmul.f32 v10, v10;
	v10 =	vsub.f32 v24, v25  }
0x9d: {  	v2 =	vadd.f32 v13, v2;
	v3 =	vadd.f32 v14, v3;
	v13 =	vmul.f32 v57, v57;
	v14 =	vld [tilespmem:s2+$0x8220]  }
0x9e: {  	v61 =	vld [tilespmem:s2+$0x8230];
	v5 =	vadd.f32 v8, v5;
	v8 =	vmul.f32 v10, v10;
	v10 =	vsub.f32 v26, v27  }
0x9f: {  	v62 =	vld [tilespmem:s2+$0x18240];
	v0 =	vadd.f32 v13, v0;
	v13 =	vsub.f32 v28, v29  }
0xa0: {  	v9 =	vsub.f32 v9, v15;
	v15 =	vld [tilespmem:s2+$0x8240];
	v4 =	vadd.f32 v8, v4;
	v8 =	vmul.f32 v10, v10  }
0xa1: {  	v10 =	vsub.f32 v12, v11;
	v11 =	vmul.f32 v13, v13;
	v12 =	vsub.f32 v56, v58  }
0xa2: {  	v13 =	vsub.f32 v59, v14;
	v14 =	vmul.f32 v9, v9;
	v7 =	vadd.f32 v8, v7;
	v8 =	vld [tilespmem:s2+$0x18250]  }
0xa3: {  	v63 =	vsub.f32 v60, v61;
	v6 =	vadd.f32 v11, v6;
	v12 =	vmul.f32 v12, v12;
	v11 =	vld [tilespmem:s2+$0x8250]  }
0xa4: {  	v9 =	vld [tilespmem:s2+$0x18260];
	v10 =	vmul.f32 v10, v10;
	v13 =	vmul.f32 v13, v13;
	v2 =	vadd.f32 v14, v2  }
0xa5: {  	s0 =	simm.s32 $0x80;
	v14 =	vsub.f32 v62, v15;
	v3 =	vadd.f32 v12, v3;
	v12 =	vld [tilespmem:s2+$0x8260]  }
0xa6: {  	v1 =	vadd.f32 v10, v1;
	v10 =	vld [tilespmem:s0+$0x18270];
	s2 =	simm.s32 $0x400;
	v5 =	vadd.f32 v13, v5;
	v13 =	vmul.f32 v63, v63  }
.LBB2_6:
0xa7: {  	p0 =	sne.s32 s2, $0xFE00;
	v15 =	vld [tilespmem:s0+$0x8270]  }
0xa8: {  	v16 =	vld [tilespmem:s0+$0x18200];
	v0 =	vadd.f32 v13, v0;
	v13 =	vmul.f32 v14, v14;
	v8 =	vsub.f32 v8, v11  }
0xa9: {  	v11 =	vld [tilespmem:s0+$0x8200]  }
0xaa: {  	v14 =	vld [tilespmem:s0+$0x18210];
	v4 =	vadd.f32 v13, v4;
	v8 =	vmul.f32 v8, v8;
	v9 =	vsub.f32 v9, v12  }
0xab: {  	v12 =	vld [tilespmem:s0+$0x8210]  }
0xac: {  	v13 =	vld [tilespmem:s0+$0x18220];
	v10 =	vsub.f32 v10, v15;
	v7 =	vadd.f32 v8, v7;
	v8 =	vmul.f32 v9, v9  }
0xad: {  	v9 =	vld [tilespmem:s0+$0x8220]  }
0xae: {  	v11 =	vsub.f32 v16, v11;
	v15 =	vld [tilespmem:s0+$0x18230];
	v10 =	vmul.f32 v10, v10;
	v6 =	vadd.f32 v8, v6  }
0xaf: {  	v16 =	vld [tilespmem:s0+$0x8230]  }
0xb0: {  	v8 =	vmul.f32 v11, v11;
	v11 =	vsub.f32 v14, v12;
	v14 =	vld [tilespmem:s0+$0x18240];
	v1 =	vadd.f32 v10, v1  }
0xb1: {  	v17 =	vld [tilespmem:s0+$0x8240]  }
.Ltmp2:
0xb2: {  	v2 =	vadd.f32 v8, v2;
	v10 =	vmul.f32 v11, v11;
	v9 =	vsub.f32 v13, v9;
	v8 =	vld [tilespmem:s0+$0x18250];
	(pc) =	sbr.rel @p0 .LBB2_6-.Ltmp2, $4  }
0xb3: {  	v11 =	vld [tilespmem:s0+$0x8250]  }
0xb4: {  	v3 =	vadd.f32 v10, v3;
	v13 =	vmul.f32 v9, v9;
	v15 =	vsub.f32 v15, v16;
	v9 =	vld [tilespmem:s0+$0x18260]  }
0xb5: {  	v12 =	vld [tilespmem:s0+$0x8260];
	s0 =	sshra.s32 s2, $0x2  }
0xb6: {  	s2 =	sadd.s32 $0x200, s2;
	v10 =	vld [tilespmem:s0+$0x18270];
	v5 =	vadd.f32 v13, v5;
	v13 =	vmul.f32 v15, v15;
	v14 =	vsub.f32 v14, v17  }
0xb7: {  	v15 =	vld [tilespmem:s0+$0x8270]  }
0xb8: {  	v16 =	vld [tilespmem:s0+$0x18200]  }
0xb9: {  	v17 =	vld [tilespmem:s0+$0x8200]  }
0xba: {  	v18 =	vld [tilespmem:s0+$0x18210]  }
0xbb: {  	v19 =	vld [tilespmem:s0+$0x8210]  }
0xbc: {  	v20 =	vld [tilespmem:s0+$0x18220]  }
0xbd: {  	v21 =	vld [tilespmem:s0+$0x8220]  }
0xbe: {  	v22 =	vld [tilespmem:s0+$0x18230]  }
0xbf: {  	v23 =	vld [tilespmem:s0+$0x8230]  }
0xc0: {  	v24 =	vld [tilespmem:s0+$0x18240]  }
0xc1: {  	v25 =	vld [tilespmem:s0+$0x8240]  }
0xc2: {  	v26 =	vld [tilespmem:s0+$0x18250]  }
0xc3: {  	v27 =	vld [tilespmem:s0+$0x8250]  }
0xc4: {  	v28 =	vld [tilespmem:s0+$0x18260]  }
0xc5: {  	v29 =	vld [tilespmem:s0+$0x8260];
	_ =	swait.ge [sflag:s29], $0x4000  }
0xc6: {  	[sflag:s29] =	ssyncset.done $0x0  }
0xc7: {  	[sflag:s29] =	ssyncadd.s32 $0xFFFFC000  }
0xc8: {  	v8 =	vsub.f32 v8, v11;
	_ =	swait.ge [sflag:s23], $0x4000  }
0xc9: {  	v11 =	vmul.f32 v14, v14;
	[sflag:s23] =	ssyncset.done $0x0  }
0xca: {  	s2 =	simm.s32 $0x0;
	v8 =	vmul.f32 v8, v8;
	v9 =	vsub.f32 v9, v12;
	[sflag:s23] =	ssyncadd.s32 $0xFFFFC000  }
0xcb: {  	v0 =	vadd.f32 v13, v0;
	v11 =	vadd.f32 v11, v4;
	v12 =	vld [tilespmem:s2+$0x10270]  }
0xcc: {  	v4 =	vsub.f32 v10, v15;
	v7 =	vadd.f32 v8, v7;
	v8 =	vmul.f32 v9, v9;
	v13 =	vld [tilespmem:s2+$0xC270]  }
0xcd: {  	v10 =	vsub.f32 v16, v17;
	v14 =	vsub.f32 v18, v19;
	v9 =	vld [tilespmem:s2+$0x10200]  }
0xce: {  	v15 =	vld [tilespmem:s2+$0xC200];
	v6 =	vadd.f32 v8, v6;
	v4 =	vmul.f32 v4, v4;
	v8 =	vsub.f32 v20, v21  }
0xcf: {  	v55 =	vsub.f32 v22, v23;
	v54 =	vld [tilespmem:s2+$0x10210];
	v10 =	vmul.f32 v10, v10  }
0xd0: {  	v56 =	vld [tilespmem:s2+$0xC210];
	v14 =	vmul.f32 v14, v14;
	v57 =	vadd.f32 v4, v1;
	v1 =	vmul.f32 v8, v8  }
0xd1: {  	v4 =	vsub.f32 v24, v25;
	v8 =	vld [tilespmem:s2+$0x10220];
	v58 =	vadd.f32 v10, v2;
	v2 =	vmul.f32 v55, v55  }
0xd2: {  	v59 =	vsub.f32 v26, v27;
	v14 =	vadd.f32 v14, v3;
	v10 =	vld [tilespmem:s2+$0xC220]  }
0xd3: {  	v60 =	vld [tilespmem:s2+$0x10230];
	v5 =	vadd.f32 v1, v5;
	v1 =	vmul.f32 v4, v4;
	v4 =	vadd.f32 v2, v0  }
0xd4: {  	v61 =	vld [tilespmem:s2+$0xC230];
	v0 =	vsub.f32 v28, v29;
	v9 =	vsub.f32 v9, v15  }
0xd5: {  	v15 =	vld [tilespmem:s2+$0xC240];
	v3 =	vadd.f32 v1, v11;
	v1 =	vmul.f32 v59, v59;
	v11 =	vsub.f32 v12, v13  }
0xd6: {  	v13 =	vld [tilespmem:s2+$0x10240];
	v0 =	vmul.f32 v0, v0;
	v12 =	vsub.f32 v54, v56  }
0xd7: {  	v8 =	vsub.f32 v8, v10;
	v10 =	vld [tilespmem:s2+$0x10250];
	v2 =	vadd.f32 v1, v7;
	v7 =	vmul.f32 v11, v11  }
0xd8: {  	v1 =	vadd.f32 v0, v6;
	v6 =	vmul.f32 v9, v9;
	v11 =	vmul.f32 v12, v12;
	v12 =	vld [tilespmem:s2+$0xC250]  }
0xd9: {  	v63 =	vsub.f32 v60, v61;
	v9 =	vld [tilespmem:s2+$0x10260];
	v62 =	vmul.f32 v8, v8;
	v0 =	vadd.f32 v7, v57  }
0xda: {  	s0 =	simm.s32 $0x80;
	v6 =	vadd.f32 v6, v58;
	v7 =	vadd.f32 v11, v14;
	v11 =	vld [tilespmem:s2+$0xC260]  }
0xdb: {  	v8 =	vld [tilespmem:s0+$0x10270];
	s2 =	simm.s32 $0x400;
	v14 =	vmul.f32 v63, v63;
	v5 =	vadd.f32 v62, v5;
	v13 =	vsub.f32 v13, v15  }
.LBB2_8:
0xdc: {  	p0 =	sne.s32 s2, $0xFE00;
	v15 =	vld [tilespmem:s0+$0xC270]  }
0xdd: {  	v16 =	vld [tilespmem:s0+$0x10200];
	v4 =	vadd.f32 v14, v4;
	v13 =	vmul.f32 v13, v13;
	v10 =	vsub.f32 v10, v12  }
0xde: {  	v12 =	vld [tilespmem:s0+$0xC200]  }
0xdf: {  	v14 =	vld [tilespmem:s0+$0x10210];
	v3 =	vadd.f32 v13, v3;
	v10 =	vmul.f32 v10, v10;
	v9 =	vsub.f32 v9, v11  }
0xe0: {  	v11 =	vld [tilespmem:s0+$0xC210]  }
0xe1: {  	v13 =	vld [tilespmem:s0+$0x10220];
	v8 =	vsub.f32 v8, v15;
	v2 =	vadd.f32 v10, v2;
	v9 =	vmul.f32 v9, v9  }
0xe2: {  	v10 =	vld [tilespmem:s0+$0xC220]  }
0xe3: {  	v12 =	vsub.f32 v16, v12;
	v15 =	vld [tilespmem:s0+$0x10230];
	v8 =	vmul.f32 v8, v8;
	v1 =	vadd.f32 v9, v1  }
0xe4: {  	v9 =	vld [tilespmem:s0+$0xC230]  }
0xe5: {  	v12 =	vmul.f32 v12, v12;
	v11 =	vsub.f32 v14, v11;
	v16 =	vld [tilespmem:s0+$0x10240];
	v0 =	vadd.f32 v8, v0  }
0xe6: {  	v17 =	vld [tilespmem:s0+$0xC240]  }
.Ltmp3:
0xe7: {  	v6 =	vadd.f32 v12, v6;
	v8 =	vmul.f32 v11, v11;
	v11 =	vsub.f32 v13, v10;
	v10 =	vld [tilespmem:s0+$0x10250];
	(pc) =	sbr.rel @p0 .LBB2_8-.Ltmp3, $4  }
0xe8: {  	v12 =	vld [tilespmem:s0+$0xC250]  }
0xe9: {  	v7 =	vadd.f32 v8, v7;
	v13 =	vmul.f32 v11, v11;
	v14 =	vsub.f32 v15, v9;
	v9 =	vld [tilespmem:s0+$0x10260]  }
0xea: {  	v11 =	vld [tilespmem:s0+$0xC260];
	s0 =	sshra.s32 s2, $0x2  }
0xeb: {  	s2 =	sadd.s32 $0x200, s2;
	v8 =	vld [tilespmem:s0+$0x10270];
	v5 =	vadd.f32 v13, v5;
	v14 =	vmul.f32 v14, v14;
	v13 =	vsub.f32 v16, v17  }
0xec: {  	v15 =	vld [tilespmem:s0+$0x10200]  }
0xed: {  	v16 =	vld [tilespmem:s0+$0xC200]  }
0xee: {  	v17 =	vld [tilespmem:s0+$0x10210]  }
0xef: {  	v18 =	vld [tilespmem:s0+$0xC210]  }
0xf0: {  	v19 =	vld [tilespmem:s0+$0x10220]  }
0xf1: {  	v20 =	vld [tilespmem:s0+$0xC220]  }
0xf2: {  	v21 =	vld [tilespmem:s0+$0x10230]  }
0xf3: {  	v22 =	vld [tilespmem:s0+$0xC230]  }
0xf4: {  	v23 =	vld [tilespmem:s0+$0x10240]  }
0xf5: {  	v44 =	vld [tilespmem:s0+$0xC240];
	v15 =	vsub.f32 v15, v16;
	v43 =	vsub.f32 v17, v18  }
0xf6: {  	v49 =	vld [tilespmem:s0+$0x10250];
	v4 =	vadd.f32 v14, v4  }
0xf7: {  	v51 =	vld [tilespmem:s0+$0xC250];
	v48 =	vsub.f32 v19, v20;
	v46 =	vmul.f32 v15, v15;
	v47 =	vmul.f32 v43, v43  }
0xf8: {  	v53 =	vld [tilespmem:s0+$0x10260];
	v10 =	vsub.f32 v10, v12;
	v45 =	vmul.f32 v13, v13;
	v50 =	vsub.f32 v21, v22  }
0xf9: {  	v55 =	vld [tilespmem:s0+$0xC260];
	v52 =	vmul.f32 v48, v48;
	v6 =	vadd.f32 v46, v6;
	v7 =	vadd.f32 v47, v7  }
0xfa: {  	v3 =	vadd.f32 v45, v3;
	v54 =	vsub.f32 v23, v44  }
0xfb: {  	v56 =	vld [tilespmem:s0+$0xC270];
	v12 =	vmul.f32 v50, v50;
	v5 =	vadd.f32 v52, v5;
	v6 =	vadd.f32 v7, v6  }
0xfc: {  	v9 =	vsub.f32 v9, v11;
	v10 =	vmul.f32 v10, v10;
	v57 =	vsub.f32 v49, v51  }
0xfd: {  	v11 =	vmul.f32 v54, v54;
	v4 =	vadd.f32 v12, v4;
	v5 =	vadd.f32 v5, v6  }
0xfe: {  	v2 =	vadd.f32 v10, v2;
	v58 =	vmul.f32 v9, v9;
	v60 =	vsub.f32 v53, v55  }
0xff: {  	v59 =	vmul.f32 v57, v57;
	v3 =	vadd.f32 v11, v3;
	v4 =	vadd.f32 v4, v5  }
0x100: {  	v61 =	vsub.f32 v8, v56;
	v1 =	vadd.f32 v58, v1  }
0x101: {  	v62 =	vmul.f32 v60, v60;
	v2 =	vadd.f32 v59, v2;
	v3 =	vadd.f32 v3, v4;
	_ =	sdelay $0x1  }
0x102: {  	v63 =	vmul.f32 v61, v61;
	v1 =	vadd.f32 v62, v1;
	v2 =	vadd.f32 v2, v3;
	_ =	sdelay $0x1  }
0x103: {  	v0 =	vadd.f32 v63, v0;
	v1 =	vadd.f32 v1, v2;
	_ =	sdelay $0x1  }
0x104: {  	s31 =	sadd.s32 $0x1, s31;
	v0 =	vadd.f32 v0, v1  }
0x105: {  	p0 =	sne.s32 s31, s10  }
.Ltmp4:
0x106: {  	[tilespmem:$0x1C200] =	vst v0;
	(pc) =	sbr.rel @p0 .LBB2_1-.Ltmp4, $4  }
0x107: {  	[hbm4b:s9+s3] =	stream.linear.scatter [tilespmem:s30], [sflag:$0x8], $0x80, $0x38;
	[tilespmem:$0x1C280] =	vst v63  }
0x108: {  	_ =	swait.ge [sflag:s11], $0x80  }
0x109: {  	[sflag:s11] =	ssyncset.done $0x0  }
0x10a: {  	[sflag:s11] =	ssyncadd.s32 $0xFFFFFF80  }
0x10b: {  	_ =	sfence.sel $0x180000  }
0x10c: {  	[bflag:$0x0] =	sbarrier.arrive $0xFFFF  }
0x10d: {  	_ =	strace $0x90000047  }
0x10e: {  	s0 =	stileid.u32;
	[bflag:$0x2] =	sbarrier.arrive $0xFFFF  }
0x10f: {  	p0 =	sne.s32 s0, $0x0;
	s0 =	rddreg [dreg:$0x4]  }
0x110: {  	s0 =	sadd.s32 @!p0 $0x100000, s0  }
0x111: {  	[sflag:s0] =	ssyncadd.tile.s32 @!p0 $0x1;
	_ =	shalt  }
.Lfunc_end2:
_tile_overlayer_lowered:
.L_overlay_start_2:
0x112: {  	(tag) =	ssettag $0x2  }
0x113: {  	s0 =	rddreg [dreg:$0x0];
	s2 =	stileid.u32  }
0x114: {  	s1 =	rddreg [dreg:$0x1];
	p0 =	sne.s32 s2, $0x0  }
0x115: {  	s3 =	rddreg [dreg:$0x2];
	[bflag:$0x3] =	sbarrier.arrive $0xFFFF;
	s2 =	simm.s32 @!p0 $0x1C08  }
0x116: {  	[timem:s3], [sflag:s2] =	dma.local @!p0 [hbm:s0], s1  }
0x117: {  	s0 =	simm.s32 @!p0 $0x8  }
0x118: {  	_ =	swait.ge @!p0 [sflag:s0], s1  }
0x119: {  	s1 =	ssub.s32 @!p0 $0x0, s1;
	[sflag:s0] =	ssyncset.done @!p0 $0x0  }
0x11a: {  	[sflag:s0] =	ssyncadd.s32 @!p0 s1  }
0x11b: {  	[bflag:$0x3] =	sbarrier.arrive $0xFFFF  }
0x11c: {  	_ =	shalt  }

</sc_bundles>
